<compile_context>
chip_gen: v7x
topology: tpu7x:2x2x1
jax: 0.10.2.dev20260603
libtpu: 0.0.44.dev20260713+nightly
codegen_flags: <defaults>
</compile_context>

<pallas_src>
import functools

import jax
import jax.numpy as jnp
from jax import lax
from jax.experimental import pallas as pl
from jax.experimental.pallas import tpu as pltpu
from jax.experimental.pallas import tpu_sc as plsc



def _proj_body(featT_ref, w_ref, b_ref, o0, o1):
    xt = featT_ref[...].astype(jnp.bfloat16)
    w = w_ref[...].astype(jnp.bfloat16)
    acc = lax.dot_general(xt, w, dimension_numbers=(((0,), (0,)), ((), ())),
                          preferred_element_type=jnp.float32)
    acc = (acc + b_ref[...]).astype(jnp.bfloat16)
    e = acc.shape[1]
    lo = lax.bitcast_convert_type(acc[:, :e // 2], jnp.uint16)
    hi = lax.bitcast_convert_type(acc[:, e // 2:], jnp.uint16)
    word = (lo.astype(jnp.uint32)
            | (hi.astype(jnp.uint32) << jnp.uint32(16)))
    packed = lax.bitcast_convert_type(word, jnp.float32)
    o0[...] = packed[:, 0:128]
    o1[...] = packed[:, 128:256]


def _project_table(features_t, w, b2d):
    d, n = features_t.shape
    e = w.shape[1]
    blk = 2048
    grid = (pl.cdiv(n, blk),)
    part = jax.ShapeDtypeStruct((n, 128), jnp.float32)
    return pl.pallas_call(
        _proj_body,
        grid=grid,
        in_specs=[
            pl.BlockSpec((d, blk), lambda i: (0, i)),
            pl.BlockSpec((d, e), lambda i: (0, 0)),
            pl.BlockSpec((1, e), lambda i: (0, 0)),
        ],
        out_specs=[pl.BlockSpec((blk, 128), lambda i: (i, 0))] * 2,
        out_shape=[part] * 2,
        compiler_params=pltpu.CompilerParams(
            dimension_semantics=("parallel",)),
    )(features_t, w, b2d)



def _pick_chunk(per_w):
    for c in (128, 64, 32, 16, 8):
        if per_w % c == 0:
            return c
    return per_w


def _sc_gather2(parts, idx, n_rows, nc, ns):
    nw = nc * ns
    per_w = n_rows // nw
    chunk = _pick_chunk(per_w)
    steps = per_w // chunk
    mesh = plsc.VectorSubcoreMesh(core_axis_name="c", subcore_axis_name="s")
    part = jax.ShapeDtypeStruct((n_rows, 128), jnp.float32)

    @functools.partial(
        pl.kernel,
        mesh=mesh,
        out_type=[part] * 2,
        scratch_types=[
            pltpu.VMEM((chunk,), jnp.int32),
            pltpu.VMEM((chunk, 128), jnp.float32),
            pltpu.VMEM((chunk, 128), jnp.float32),
            pltpu.SemaphoreType.DMA,
        ],
    )
    def gather_k(idx_hbm, t0, t1, u0, u1, idx_v, r0, r1, sem):
        wid = lax.axis_index("s") * nc + lax.axis_index("c")
        tabs = (t0, t1)
        outs = (u0, u1)
        rows = (r0, r1)

        def one(i, carry):
            base = wid * per_w + i * chunk
            pltpu.sync_copy(idx_hbm.at[pl.ds(base, chunk)], idx_v)
            descs = [pltpu.async_copy(tabs[j].at[idx_v], rows[j], sem)
                     for j in range(2)]
            for dsc in descs:
                dsc.wait()
            for j in range(2):
                pltpu.sync_copy(rows[j], outs[j].at[pl.ds(base, chunk)])
            return carry

        if steps == 1:
            one(0, 0)
        else:
            lax.fori_loop(0, steps, one, 0)

    return gather_k(idx, *parts)



def _unpack_lo(p):
    u = lax.bitcast_convert_type(p, jnp.uint32)
    return lax.bitcast_convert_type(
        u.astype(jnp.uint16), jnp.bfloat16).astype(jnp.float32)


def _unpack_hi(p):
    u = lax.bitcast_convert_type(p, jnp.uint32)
    return lax.bitcast_convert_type(
        (u >> jnp.uint32(16)).astype(jnp.uint16),
        jnp.bfloat16).astype(jnp.float32)


def _cat2(p0, p1):
    return jnp.concatenate(
        [_unpack_lo(p0), _unpack_lo(p1), _unpack_hi(p0), _unpack_hi(p1)],
        axis=1)


def _cat_nodes_body(p0, p1, out_ref):
    out_ref[...] = _cat2(p0[...], p1[...])


def _finalize_nodes(parts, b, e, row_off):
    blk = 1024
    off = row_off // blk
    return pl.pallas_call(
        _cat_nodes_body,
        grid=(b // blk,),
        in_specs=[pl.BlockSpec((blk, 128), lambda i: (off + i, 0))] * 2,
        out_specs=pl.BlockSpec((blk, e), lambda i: (i, 0)),
        out_shape=jax.ShapeDtypeStruct((b, e), jnp.float32),
        compiler_params=pltpu.CompilerParams(
            dimension_semantics=("parallel",)),
    )(*parts)


def _cat_neigh_body(p0, p1, out_ref):
    out_ref[...] = _cat2(p0[...], p1[...])[None]


def _cat_neigh_body_alias(prev_ref, p0, p1, out_ref):
    del prev_ref
    out_ref[...] = _cat2(p0[...], p1[...])[None]


def _finalize_neigh(parts, prev, b, k_total, j0, jn, e):
    blk = 1024
    nb = b // blk
    out_shape = jax.ShapeDtypeStruct((k_total, b, e), jnp.float32)
    out_spec = pl.BlockSpec((1, blk, e), lambda j, i: (j0 + j, i, 0))
    part_specs = [pl.BlockSpec((blk, 128), lambda j, i: (j * nb + i, 0))] * 2
    params = pltpu.CompilerParams(
        dimension_semantics=("parallel", "parallel"))
    if prev is None:
        return pl.pallas_call(
            _cat_neigh_body,
            grid=(jn, nb),
            in_specs=part_specs,
            out_specs=out_spec,
            out_shape=out_shape,
            compiler_params=params,
        )(*parts)
    return pl.pallas_call(
        _cat_neigh_body_alias,
        grid=(jn, nb),
        in_specs=[pl.BlockSpec(memory_space=pl.ANY)] + part_specs,
        out_specs=out_spec,
        out_shape=out_shape,
        input_output_aliases={0: 0},
        compiler_params=params,
    )(prev, *parts)



def _mask_body(shift_ref, seq_ref, mask_ref):
    pos = lax.broadcasted_iota(jnp.int32, mask_ref.shape, 1) + 1 + shift_ref[0]
    mask_ref[...] = (pos > seq_ref[...]).astype(jnp.int8)


def _build_mask(seq2d, shift, k):
    bk = seq2d.shape[0]
    return pl.pallas_call(
        _mask_body,
        in_specs=[
            pl.BlockSpec(memory_space=pltpu.SMEM),
            pl.BlockSpec((bk, 1), lambda: (0, 0)),
        ],
        out_specs=pl.BlockSpec((bk, k), lambda: (0, 0)),
        out_shape=jax.ShapeDtypeStruct((bk, k), jnp.int8),
    )(shift, seq2d)



def kernel(nodes, neigh_idx, seq_length, num_sample, features_table, W_in, b_in):
    b, k = neigh_idx.shape
    n, d = features_table.shape
    e = W_in.shape[1]

    shift = (jnp.asarray(num_sample, jnp.int32) - k).reshape(1)
    seq2d = seq_length.astype(jnp.int32).reshape(b, 1)
    b2d = b_in.reshape(1, e)

    parts = _project_table(features_table.T, W_in, b2d)
    mask_i8 = _build_mask(seq2d, shift, k)

    try:
        info = plsc.get_sparse_core_info()
        nc, ns = info.num_cores, info.num_subcores
    except (RuntimeError, ValueError):
        nc, ns = 2, 16

    neigh_kmaj = neigh_idx.astype(jnp.int32).T.reshape(-1)
    k1 = 5
    idx_g1 = jnp.concatenate([neigh_kmaj[:k1 * b], nodes.astype(jnp.int32)])
    idx_g2 = neigh_kmaj[k1 * b:]

    parts_g1 = _sc_gather2(parts, idx_g1, k1 * b + b, nc, ns)
    parts_g2 = _sc_gather2(parts, idx_g2, (k - k1) * b, nc, ns)

    nodes_emb = _finalize_nodes(parts_g1, b, e, row_off=k1 * b)
    h1 = _finalize_neigh(parts_g1, None, b, k, 0, k1, e)
    neighs_kmaj = _finalize_neigh(parts_g2, h1, b, k, k1, k - k1, e)

    return (nodes_emb,
            jnp.transpose(neighs_kmaj, (1, 0, 2)),
            mask_i8.astype(jnp.bool_))

# --- scband reference (transcript-rebuilt; emitter-appended) ---
"""Pipeline reference for scband-neighbour-sampler-16320875725119 (READ-ONLY COPY).

The authoritative reference and input builder live on the scoring server;
editing this copy changes nothing except your own understanding.
"""

import jax, jax.numpy as jnp
import numpy as np

N_NODES = 50000
D_FEAT = 1433
EMB = 512
B = 4096
K = 10

def setup_inputs(seed: int = 0) -> dict:
    key = jax.random.key(seed)
    k1, k2, k3, k4, k5 = jax.random.split(key, 5)
    nodes = jax.random.randint(k1, (B,), 0, N_NODES, dtype=jnp.int64) if jax.config.jax_enable_x64 else jax.random.randint(k1, (B,), 0, N_NODES, dtype=jnp.int32)
    neigh_idx = jax.random.randint(k2, (B, K), 0, N_NODES, dtype=jnp.int32)
    seq_length = jax.random.randint(k3, (B,), 0, K, dtype=jnp.int32)
    features_table = jax.random.normal(k4, (N_NODES, D_FEAT), dtype=jnp.float32)
    W_in = jax.random.normal(k5, (D_FEAT, EMB), dtype=jnp.float32) * 0.02
    b_in = jnp.zeros((EMB,), dtype=jnp.float32)
    return {
        "nodes": nodes,
        "neigh_idx": neigh_idx,
        "seq_length": seq_length,
        "num_sample": K,
        "features_table": features_table,
        "W_in": W_in,
        "b_in": b_in,
    }


def reference(nodes, neigh_idx, seq_length, num_sample, features_table, W_in, b_in):
    # Tensorized NeighbourSampler.forward (eval mode):
    #  - dict-of-sets neighbour sampling is pre-materialized as a padded
    #    int matrix neigh_idx[B, num_sample] with true lengths seq_length[B].
    #  - the unique-node remap + index_select in the original is
    #    mathematically a plain gather on the full feature table.
    #  - input_l=True, lap_enc=None branch: linear projection of raw features.
    #  - dropout is identity at eval time; LayerNorm is created but never
    #    applied in the original forward.
    k_static = neigh_idx.shape[1]
    nodes_raw = jnp.take(features_table, nodes, axis=0)            # [B, 1433]
    neighs_raw = jnp.take(features_table, neigh_idx.reshape(-1), axis=0)
    neighs_raw = neighs_raw.reshape(neigh_idx.shape[0], k_static, D_FEAT)
    nodes_emb = nodes_raw @ W_in + b_in                            # [B, 512]
    neighs_emb = neighs_raw @ W_in + b_in                          # [B, K, 512]
    pos = jnp.arange(1, k_static + 1, dtype=jnp.int32)[None, :]    # [1, K]
    pos = pos + (jnp.asarray(num_sample, dtype=jnp.int32) - k_static)
    padding_mask = pos > seq_length[:, None]                       # [B, K] bool
    return nodes_emb, neighs_emb, padding_mask

if __name__ == "__main__":
    import jax
    _d = setup_inputs()
    print(jax.jit(kernel)(*tuple(_d.values())))

</pallas_src>

<mosaic_0001>
#map = affine_map<(d0, d1) -> (0)>
#map1 = affine_map<(d0, d1) -> (0, 0)>
module attributes {stable_mosaic.version = 14 : i64} {
  func.func @gather_k(%arg0: i32, %arg1: i32, %arg2: memref<20480xi32, #tpu.memory_space<hbm>>, %arg3: memref<50000x128xf32, #tpu.memory_space<hbm>>, %arg4: memref<50000x128xf32, #tpu.memory_space<hbm>>, %arg5: memref<20480x128xf32, #tpu.memory_space<hbm>>, %arg6: memref<20480x128xf32, #tpu.memory_space<hbm>>, %arg7: memref<128xi32, #tpu.memory_space<vmem>>, %arg8: memref<128x128xf32, #tpu.memory_space<vmem>>, %arg9: memref<128x128xf32, #tpu.memory_space<vmem>>, %arg10: memref<!tpu.dma_semaphore, #tpu.memory_space<semaphore_mem>>) attributes {dimension_semantics = [#tpu.dimension_semantics<core_parallel>, #tpu.dimension_semantics<subcore_parallel>], iteration_bounds = array<i64: 2, 16>, scalar_prefetch = 0 : i64, scratch_operands = 4 : i64, tpu.core_type = #tpu.core_type<sc_vector_subcore>, window_params = [{transform_indices = #map}, {transform_indices = #map1}, {transform_indices = #map1}, {transform_indices = #map1}, {transform_indices = #map1}]} {
    %mul3A = arith.constant 2 : i32
    %mul3A_0 = arith.muli %arg1, %mul3A : i32
    %add3A = arith.addi %mul3A_0, %arg0 : i32
    %scan3A = arith.constant 0 : i32
    %scan3A_1 = arith.constant 0 : i32
    %scan3A_2 = arith.constant 5 : i32
    %scan3A_3 = arith.addi %scan3A_1, %scan3A_2 : i32
    %scan3A_4 = arith.constant 1 : i32
    scf.for %scan3A_6 = %scan3A_1 to %scan3A_3 step %scan3A_4  : i32 {
      %mul3A_7 = arith.constant 640 : i32
      %mul3A_8 = arith.muli %add3A, %mul3A_7 : i32
      %mul3A_9 = arith.constant 128 : i32
      %mul3A_10 = arith.muli %scan3A_6, %mul3A_9 : i32
      %add3A_11 = arith.addi %mul3A_8, %mul3A_10 : i32
      "tpu.region"() ({
        %run_scoped3A = tpu.sem_alloc : memref<!tpu.dma_semaphore, #tpu.memory_space<semaphore_mem>>
        %dma_start3A_22 = tpu.memref_slice %arg2[%add3A_11] : memref<20480xi32, #tpu.memory_space<hbm>> -> memref<128xi32, #tpu.memory_space<hbm>>
        %dma_start3A_23 = tpu.memref_slice %arg2[%add3A_11] : memref<20480xi32, #tpu.memory_space<hbm>> -> memref<128xi32, #tpu.memory_space<hbm>>
        tpu.enqueue_dma source(%dma_start3A_23 : memref<128xi32, #tpu.memory_space<hbm>>) target(%arg7 : memref<128xi32, #tpu.memory_space<vmem>>) target_semaphore(%run_scoped3A : memref<!tpu.dma_semaphore, #tpu.memory_space<semaphore_mem>>)
        %dma_wait3A_24 = tpu.memref_slice %arg2[%add3A_11] : memref<20480xi32, #tpu.memory_space<hbm>> -> memref<128xi32, #tpu.memory_space<hbm>>
        %dma_wait3A_25 = tpu.memref_slice %arg2[%add3A_11] : memref<20480xi32, #tpu.memory_space<hbm>> -> memref<128xi32, #tpu.memory_space<hbm>>
        tpu.wait_dma2 semaphore(%run_scoped3A : memref<!tpu.dma_semaphore, #tpu.memory_space<semaphore_mem>>) src(%dma_wait3A_25 : memref<128xi32, #tpu.memory_space<hbm>>) dst(%arg7 : memref<128xi32, #tpu.memory_space<vmem>>)
        tpu.yield
      }) : () -> ()
      %dma_start3A = arith.constant 0 : i32
      %dma_start3A_12 = arith.constant 0 : i32
      %dma_start3A_13 = tpu.memref_slice %arg3[%dma_start3A, %dma_start3A_12] : memref<50000x128xf32, #tpu.memory_space<hbm>> -> memref<50000x128xf32, #tpu.memory_space<hbm>>
      tpu.enqueue_indirect_dma source(%dma_start3A_13 : memref<50000x128xf32, #tpu.memory_space<hbm>>) target(%arg8 : memref<128x128xf32, #tpu.memory_space<vmem>>) offsets(%arg7 : memref<128xi32, #tpu.memory_space<vmem>>) semaphore(%arg10 : memref<!tpu.dma_semaphore, #tpu.memory_space<semaphore_mem>>)
      %dma_start3A_14 = arith.constant 0 : i32
      %dma_start3A_15 = arith.constant 0 : i32
      %dma_start3A_16 = tpu.memref_slice %arg4[%dma_start3A_14, %dma_start3A_15] : memref<50000x128xf32, #tpu.memory_space<hbm>> -> memref<50000x128xf32, #tpu.memory_space<hbm>>
      tpu.enqueue_indirect_dma source(%dma_start3A_16 : memref<50000x128xf32, #tpu.memory_space<hbm>>) target(%arg9 : memref<128x128xf32, #tpu.memory_space<vmem>>) offsets(%arg7 : memref<128xi32, #tpu.memory_space<vmem>>) semaphore(%arg10 : memref<!tpu.dma_semaphore, #tpu.memory_space<semaphore_mem>>)
      %dma_wait3A = arith.constant 0 : i32
      %dma_wait3A_17 = arith.constant 0 : i32
      %dma_wait3A_18 = tpu.memref_slice %arg3[%dma_wait3A, %dma_wait3A_17] : memref<50000x128xf32, #tpu.memory_space<hbm>> -> memref<50000x128xf32, #tpu.memory_space<hbm>>
      tpu.wait_indirect_dma semaphore(%arg10 : memref<!tpu.dma_semaphore, #tpu.memory_space<semaphore_mem>>) src(%dma_wait3A_18 : memref<50000x128xf32, #tpu.memory_space<hbm>>) dst(%arg8 : memref<128x128xf32, #tpu.memory_space<vmem>>)
      %dma_wait3A_19 = arith.constant 0 : i32
      %dma_wait3A_20 = arith.constant 0 : i32
      %dma_wait3A_21 = tpu.memref_slice %arg4[%dma_wait3A_19, %dma_wait3A_20] : memref<50000x128xf32, #tpu.memory_space<hbm>> -> memref<50000x128xf32, #tpu.memory_space<hbm>>
      tpu.wait_indirect_dma semaphore(%arg10 : memref<!tpu.dma_semaphore, #tpu.memory_space<semaphore_mem>>) src(%dma_wait3A_21 : memref<50000x128xf32, #tpu.memory_space<hbm>>) dst(%arg9 : memref<128x128xf32, #tpu.memory_space<vmem>>)
      "tpu.region"() ({
        %run_scoped3A = tpu.sem_alloc : memref<!tpu.dma_semaphore, #tpu.memory_space<semaphore_mem>>
        %dma_start3A_22 = arith.constant 0 : i32
        %dma_start3A_23 = tpu.memref_slice %arg5[%add3A_11, %dma_start3A_22] : memref<20480x128xf32, #tpu.memory_space<hbm>> -> memref<128x128xf32, #tpu.memory_space<hbm>>
        %dma_start3A_24 = arith.constant 0 : i32
        %dma_start3A_25 = tpu.memref_slice %arg5[%add3A_11, %dma_start3A_24] : memref<20480x128xf32, #tpu.memory_space<hbm>> -> memref<128x128xf32, #tpu.memory_space<hbm>>
        tpu.enqueue_dma source(%arg8 : memref<128x128xf32, #tpu.memory_space<vmem>>) target(%dma_start3A_25 : memref<128x128xf32, #tpu.memory_space<hbm>>) target_semaphore(%run_scoped3A : memref<!tpu.dma_semaphore, #tpu.memory_space<semaphore_mem>>)
        %dma_wait3A_26 = arith.constant 0 : i32
        %dma_wait3A_27 = tpu.memref_slice %arg5[%add3A_11, %dma_wait3A_26] : memref<20480x128xf32, #tpu.memory_space<hbm>> -> memref<128x128xf32, #tpu.memory_space<hbm>>
        %dma_wait3A_28 = arith.constant 0 : i32
        %dma_wait3A_29 = tpu.memref_slice %arg5[%add3A_11, %dma_wait3A_28] : memref<20480x128xf32, #tpu.memory_space<hbm>> -> memref<128x128xf32, #tpu.memory_space<hbm>>
        tpu.wait_dma2 semaphore(%run_scoped3A : memref<!tpu.dma_semaphore, #tpu.memory_space<semaphore_mem>>) src(%arg8 : memref<128x128xf32, #tpu.memory_space<vmem>>) dst(%dma_wait3A_29 : memref<128x128xf32, #tpu.memory_space<hbm>>)
        tpu.yield
      }) : () -> ()
      "tpu.region"() ({
        %run_scoped3A = tpu.sem_alloc : memref<!tpu.dma_semaphore, #tpu.memory_space<semaphore_mem>>
        %dma_start3A_22 = arith.constant 0 : i32
        %dma_start3A_23 = tpu.memref_slice %arg6[%add3A_11, %dma_start3A_22] : memref<20480x128xf32, #tpu.memory_space<hbm>> -> memref<128x128xf32, #tpu.memory_space<hbm>>
        %dma_start3A_24 = arith.constant 0 : i32
        %dma_start3A_25 = tpu.memref_slice %arg6[%add3A_11, %dma_start3A_24] : memref<20480x128xf32, #tpu.memory_space<hbm>> -> memref<128x128xf32, #tpu.memory_space<hbm>>
        tpu.enqueue_dma source(%arg9 : memref<128x128xf32, #tpu.memory_space<vmem>>) target(%dma_start3A_25 : memref<128x128xf32, #tpu.memory_space<hbm>>) target_semaphore(%run_scoped3A : memref<!tpu.dma_semaphore, #tpu.memory_space<semaphore_mem>>)
        %dma_wait3A_26 = arith.constant 0 : i32
        %dma_wait3A_27 = tpu.memref_slice %arg6[%add3A_11, %dma_wait3A_26] : memref<20480x128xf32, #tpu.memory_space<hbm>> -> memref<128x128xf32, #tpu.memory_space<hbm>>
        %dma_wait3A_28 = arith.constant 0 : i32
        %dma_wait3A_29 = tpu.memref_slice %arg6[%add3A_11, %dma_wait3A_28] : memref<20480x128xf32, #tpu.memory_space<hbm>> -> memref<128x128xf32, #tpu.memory_space<hbm>>
        tpu.wait_dma2 semaphore(%run_scoped3A : memref<!tpu.dma_semaphore, #tpu.memory_space<semaphore_mem>>) src(%arg9 : memref<128x128xf32, #tpu.memory_space<vmem>>) dst(%dma_wait3A_29 : memref<128x128xf32, #tpu.memory_space<hbm>>)
        tpu.yield
      }) : () -> ()
    }
    %scan3A_5 = arith.constant 5 : i32
    return
  }
}

#map = affine_map<(d0, d1) -> (0)>
#map1 = affine_map<(d0, d1) -> (0, 0)>
module attributes {stable_mosaic.version = 14 : i64} {
  func.func @gather_k(%arg0: i32, %arg1: i32, %arg2: memref<24576xi32, #tpu.memory_space<hbm>>, %arg3: memref<50000x128xf32, #tpu.memory_space<hbm>>, %arg4: memref<50000x128xf32, #tpu.memory_space<hbm>>, %arg5: memref<24576x128xf32, #tpu.memory_space<hbm>>, %arg6: memref<24576x128xf32, #tpu.memory_space<hbm>>, %arg7: memref<128xi32, #tpu.memory_space<vmem>>, %arg8: memref<128x128xf32, #tpu.memory_space<vmem>>, %arg9: memref<128x128xf32, #tpu.memory_space<vmem>>, %arg10: memref<!tpu.dma_semaphore, #tpu.memory_space<semaphore_mem>>) attributes {dimension_semantics = [#tpu.dimension_semantics<core_parallel>, #tpu.dimension_semantics<subcore_parallel>], iteration_bounds = array<i64: 2, 16>, scalar_prefetch = 0 : i64, scratch_operands = 4 : i64, tpu.core_type = #tpu.core_type<sc_vector_subcore>, window_params = [{transform_indices = #map}, {transform_indices = #map1}, {transform_indices = #map1}, {transform_indices = #map1}, {transform_indices = #map1}]} {
    %mul3A = arith.constant 2 : i32
    %mul3A_0 = arith.muli %arg1, %mul3A : i32
    %add3A = arith.addi %mul3A_0, %arg0 : i32
    %scan3A = arith.constant 0 : i32
    %scan3A_1 = arith.constant 0 : i32
    %scan3A_2 = arith.constant 6 : i32
    %scan3A_3 = arith.addi %scan3A_1, %scan3A_2 : i32
    %scan3A_4 = arith.constant 1 : i32
    scf.for %scan3A_6 = %scan3A_1 to %scan3A_3 step %scan3A_4  : i32 {
      %mul3A_7 = arith.constant 768 : i32
      %mul3A_8 = arith.muli %add3A, %mul3A_7 : i32
      %mul3A_9 = arith.constant 128 : i32
      %mul3A_10 = arith.muli %scan3A_6, %mul3A_9 : i32
      %add3A_11 = arith.addi %mul3A_8, %mul3A_10 : i32
      "tpu.region"() ({
        %run_scoped3A = tpu.sem_alloc : memref<!tpu.dma_semaphore, #tpu.memory_space<semaphore_mem>>
        %dma_start3A_22 = tpu.memref_slice %arg2[%add3A_11] : memref<24576xi32, #tpu.memory_space<hbm>> -> memref<128xi32, #tpu.memory_space<hbm>>
        %dma_start3A_23 = tpu.memref_slice %arg2[%add3A_11] : memref<24576xi32, #tpu.memory_space<hbm>> -> memref<128xi32, #tpu.memory_space<hbm>>
        tpu.enqueue_dma source(%dma_start3A_23 : memref<128xi32, #tpu.memory_space<hbm>>) target(%arg7 : memref<128xi32, #tpu.memory_space<vmem>>) target_semaphore(%run_scoped3A : memref<!tpu.dma_semaphore, #tpu.memory_space<semaphore_mem>>)
        %dma_wait3A_24 = tpu.memref_slice %arg2[%add3A_11] : memref<24576xi32, #tpu.memory_space<hbm>> -> memref<128xi32, #tpu.memory_space<hbm>>
        %dma_wait3A_25 = tpu.memref_slice %arg2[%add3A_11] : memref<24576xi32, #tpu.memory_space<hbm>> -> memref<128xi32, #tpu.memory_space<hbm>>
        tpu.wait_dma2 semaphore(%run_scoped3A : memref<!tpu.dma_semaphore, #tpu.memory_space<semaphore_mem>>) src(%dma_wait3A_25 : memref<128xi32, #tpu.memory_space<hbm>>) dst(%arg7 : memref<128xi32, #tpu.memory_space<vmem>>)
        tpu.yield
      }) : () -> ()
      %dma_start3A = arith.constant 0 : i32
      %dma_start3A_12 = arith.constant 0 : i32
      %dma_start3A_13 = tpu.memref_slice %arg3[%dma_start3A, %dma_start3A_12] : memref<50000x128xf32, #tpu.memory_space<hbm>> -> memref<50000x128xf32, #tpu.memory_space<hbm>>
      tpu.enqueue_indirect_dma source(%dma_start3A_13 : memref<50000x128xf32, #tpu.memory_space<hbm>>) target(%arg8 : memref<128x128xf32, #tpu.memory_space<vmem>>) offsets(%arg7 : memref<128xi32, #tpu.memory_space<vmem>>) semaphore(%arg10 : memref<!tpu.dma_semaphore, #tpu.memory_space<semaphore_mem>>)
      %dma_start3A_14 = arith.constant 0 : i32
      %dma_start3A_15 = arith.constant 0 : i32
      %dma_start3A_16 = tpu.memref_slice %arg4[%dma_start3A_14, %dma_start3A_15] : memref<50000x128xf32, #tpu.memory_space<hbm>> -> memref<50000x128xf32, #tpu.memory_space<hbm>>
      tpu.enqueue_indirect_dma source(%dma_start3A_16 : memref<50000x128xf32, #tpu.memory_space<hbm>>) target(%arg9 : memref<128x128xf32, #tpu.memory_space<vmem>>) offsets(%arg7 : memref<128xi32, #tpu.memory_space<vmem>>) semaphore(%arg10 : memref<!tpu.dma_semaphore, #tpu.memory_space<semaphore_mem>>)
      %dma_wait3A = arith.constant 0 : i32
      %dma_wait3A_17 = arith.constant 0 : i32
      %dma_wait3A_18 = tpu.memref_slice %arg3[%dma_wait3A, %dma_wait3A_17] : memref<50000x128xf32, #tpu.memory_space<hbm>> -> memref<50000x128xf32, #tpu.memory_space<hbm>>
      tpu.wait_indirect_dma semaphore(%arg10 : memref<!tpu.dma_semaphore, #tpu.memory_space<semaphore_mem>>) src(%dma_wait3A_18 : memref<50000x128xf32, #tpu.memory_space<hbm>>) dst(%arg8 : memref<128x128xf32, #tpu.memory_space<vmem>>)
      %dma_wait3A_19 = arith.constant 0 : i32
      %dma_wait3A_20 = arith.constant 0 : i32
      %dma_wait3A_21 = tpu.memref_slice %arg4[%dma_wait3A_19, %dma_wait3A_20] : memref<50000x128xf32, #tpu.memory_space<hbm>> -> memref<50000x128xf32, #tpu.memory_space<hbm>>
      tpu.wait_indirect_dma semaphore(%arg10 : memref<!tpu.dma_semaphore, #tpu.memory_space<semaphore_mem>>) src(%dma_wait3A_21 : memref<50000x128xf32, #tpu.memory_space<hbm>>) dst(%arg9 : memref<128x128xf32, #tpu.memory_space<vmem>>)
      "tpu.region"() ({
        %run_scoped3A = tpu.sem_alloc : memref<!tpu.dma_semaphore, #tpu.memory_space<semaphore_mem>>
        %dma_start3A_22 = arith.constant 0 : i32
        %dma_start3A_23 = tpu.memref_slice %arg5[%add3A_11, %dma_start3A_22] : memref<24576x128xf32, #tpu.memory_space<hbm>> -> memref<128x128xf32, #tpu.memory_space<hbm>>
        %dma_start3A_24 = arith.constant 0 : i32
        %dma_start3A_25 = tpu.memref_slice %arg5[%add3A_11, %dma_start3A_24] : memref<24576x128xf32, #tpu.memory_space<hbm>> -> memref<128x128xf32, #tpu.memory_space<hbm>>
        tpu.enqueue_dma source(%arg8 : memref<128x128xf32, #tpu.memory_space<vmem>>) target(%dma_start3A_25 : memref<128x128xf32, #tpu.memory_space<hbm>>) target_semaphore(%run_scoped3A : memref<!tpu.dma_semaphore, #tpu.memory_space<semaphore_mem>>)
        %dma_wait3A_26 = arith.constant 0 : i32
        %dma_wait3A_27 = tpu.memref_slice %arg5[%add3A_11, %dma_wait3A_26] : memref<24576x128xf32, #tpu.memory_space<hbm>> -> memref<128x128xf32, #tpu.memory_space<hbm>>
        %dma_wait3A_28 = arith.constant 0 : i32
        %dma_wait3A_29 = tpu.memref_slice %arg5[%add3A_11, %dma_wait3A_28] : memref<24576x128xf32, #tpu.memory_space<hbm>> -> memref<128x128xf32, #tpu.memory_space<hbm>>
        tpu.wait_dma2 semaphore(%run_scoped3A : memref<!tpu.dma_semaphore, #tpu.memory_space<semaphore_mem>>) src(%arg8 : memref<128x128xf32, #tpu.memory_space<vmem>>) dst(%dma_wait3A_29 : memref<128x128xf32, #tpu.memory_space<hbm>>)
        tpu.yield
      }) : () -> ()
      "tpu.region"() ({
        %run_scoped3A = tpu.sem_alloc : memref<!tpu.dma_semaphore, #tpu.memory_space<semaphore_mem>>
        %dma_start3A_22 = arith.constant 0 : i32
        %dma_start3A_23 = tpu.memref_slice %arg6[%add3A_11, %dma_start3A_22] : memref<24576x128xf32, #tpu.memory_space<hbm>> -> memref<128x128xf32, #tpu.memory_space<hbm>>
        %dma_start3A_24 = arith.constant 0 : i32
        %dma_start3A_25 = tpu.memref_slice %arg6[%add3A_11, %dma_start3A_24] : memref<24576x128xf32, #tpu.memory_space<hbm>> -> memref<128x128xf32, #tpu.memory_space<hbm>>
        tpu.enqueue_dma source(%arg9 : memref<128x128xf32, #tpu.memory_space<vmem>>) target(%dma_start3A_25 : memref<128x128xf32, #tpu.memory_space<hbm>>) target_semaphore(%run_scoped3A : memref<!tpu.dma_semaphore, #tpu.memory_space<semaphore_mem>>)
        %dma_wait3A_26 = arith.constant 0 : i32
        %dma_wait3A_27 = tpu.memref_slice %arg6[%add3A_11, %dma_wait3A_26] : memref<24576x128xf32, #tpu.memory_space<hbm>> -> memref<128x128xf32, #tpu.memory_space<hbm>>
        %dma_wait3A_28 = arith.constant 0 : i32
        %dma_wait3A_29 = tpu.memref_slice %arg6[%add3A_11, %dma_wait3A_28] : memref<24576x128xf32, #tpu.memory_space<hbm>> -> memref<128x128xf32, #tpu.memory_space<hbm>>
        tpu.wait_dma2 semaphore(%run_scoped3A : memref<!tpu.dma_semaphore, #tpu.memory_space<semaphore_mem>>) src(%arg9 : memref<128x128xf32, #tpu.memory_space<vmem>>) dst(%dma_wait3A_29 : memref<128x128xf32, #tpu.memory_space<hbm>>)
        tpu.yield
      }) : () -> ()
    }
    %scan3A_5 = arith.constant 6 : i32
    return
  }
}

module attributes {stable_mosaic.version = 14 : i64} {
  func.func @_mask_body(%arg0: memref<1xi32, #tpu.memory_space<smem>>, %arg1: memref<4096x1xi32, #tpu.memory_space<vmem>>, %arg2: memref<4096x10xi8, #tpu.memory_space<vmem>>) attributes {dimension_semantics = [], scalar_prefetch = 0 : i64, scratch_operands = 0 : i64, tpu.core_type = #tpu.core_type<tc>} {
    %iota3A = tpu.iota {dimensions = array<i32: 1>} : vector<4096x10xi32>
    %add3A = arith.constant 1 : i32
    %add3A_0 = vector.broadcast %add3A : i32 to vector<4096x10xi32>
    %add3A_1 = arith.addi %iota3A, %add3A_0 : vector<4096x10xi32>
    %get3A = arith.constant 0 : index
    %get3A_2 = memref.load %arg0[%get3A] : memref<1xi32, #tpu.memory_space<smem>>
    %add3A_3 = vector.broadcast %get3A_2 : i32 to vector<4096x10xi32>
    %add3A_4 = arith.addi %add3A_1, %add3A_3 : vector<4096x10xi32>
    %get3A_5 = arith.constant 0 : index
    %get3A_6 = arith.constant 0 : index
    %get3A_7 = vector.load %arg1[%get3A_5, %get3A_6] : memref<4096x1xi32, #tpu.memory_space<vmem>>, vector<4096x1xi32>
    %gt3A = vector.broadcast %get3A_7 : vector<4096x1xi32> to vector<4096x10xi32>
    %gt3A_8 = arith.cmpi sgt, %add3A_4, %gt3A : vector<4096x10xi32>
    %convert_element_type3A = arith.extui %gt3A_8 : vector<4096x10xi1> to vector<4096x10xi8>
    %swap3A = arith.constant 0 : index
    %swap3A_9 = arith.constant 0 : index
    %swap3A_10 = vector.load %arg2[%swap3A, %swap3A_9] : memref<4096x10xi8, #tpu.memory_space<vmem>>, vector<4096x10xi8>
    tpu.vector_store %arg2[%swap3A, %swap3A_9], %convert_element_type3A {strides = array<i32>} : memref<4096x10xi8, #tpu.memory_space<vmem>>, vector<4096x10xi8>,
    return
  }
}

module attributes {stable_mosaic.version = 14 : i64} {
  func.func @_proj_body(%arg0: i32, %arg1: memref<1433x2048xf32, #tpu.memory_space<vmem>>, %arg2: memref<1433x512xf32, #tpu.memory_space<vmem>>, %arg3: memref<1x512xf32, #tpu.memory_space<vmem>>, %arg4: memref<2048x128xf32, #tpu.memory_space<vmem>>, %arg5: memref<2048x128xf32, #tpu.memory_space<vmem>>) attributes {dimension_semantics = [#tpu.dimension_semantics<parallel>], iteration_bounds = array<i64: 25>, scalar_prefetch = 0 : i64, scratch_operands = 0 : i64, tpu.core_type = #tpu.core_type<tc>, window_params = [{transform_indices = @transform_0, window_bounds = array<i64: 1433, 2048>}, {pipeline_mode = #tpu.pipeline_mode<synchronous>, transform_indices = @transform_1, window_bounds = array<i64: 1433, 512>}, {pipeline_mode = #tpu.pipeline_mode<synchronous>, transform_indices = @transform_2, window_bounds = array<i64: 1, 512>}, {transform_indices = @transform_3, window_bounds = array<i64: 2048, 128>}, {transform_indices = @transform_4, window_bounds = array<i64: 2048, 128>}]} {
    %get3A = arith.constant 0 : index
    %get3A_0 = arith.constant 0 : index
    %get3A_1 = vector.load %arg1[%get3A, %get3A_0] : memref<1433x2048xf32, #tpu.memory_space<vmem>>, vector<1433x2048xf32>
    %convert_element_type3A = arith.truncf %get3A_1 : vector<1433x2048xf32> to vector<1433x2048xbf16>
    %get3A_2 = arith.constant 0 : index
    %get3A_3 = arith.constant 0 : index
    %get3A_4 = vector.load %arg2[%get3A_2, %get3A_3] : memref<1433x512xf32, #tpu.memory_space<vmem>>, vector<1433x512xf32>
    %convert_element_type3A_5 = arith.truncf %get3A_4 : vector<1433x512xf32> to vector<1433x512xbf16>
    %dot_general3A = arith.constant dense<0.000000e+00> : vector<2048x512xf32>
    %dot_general3A_6 = tpu.matmul %convert_element_type3A, %convert_element_type3A_5, %dot_general3A {dimension_numbers = #tpu.dot_dimension_numbers<[0], [0], [1], [1], [0, 1, 1, 1], [], []>, transpose_lhs_hint = false} : vector<1433x2048xbf16>, vector<1433x512xbf16>, vector<2048x512xf32> -> vector<2048x512xf32>
    %get3A_7 = arith.constant 0 : index
    %get3A_8 = arith.constant 0 : index
    %get3A_9 = vector.load %arg3[%get3A_7, %get3A_8] : memref<1x512xf32, #tpu.memory_space<vmem>>, vector<1x512xf32>
    %add3A = vector.broadcast %get3A_9 : vector<1x512xf32> to vector<2048x512xf32>
    %add3A_10 = arith.addf %dot_general3A_6, %add3A : vector<2048x512xf32>
    %convert_element_type3A_11 = arith.truncf %add3A_10 : vector<2048x512xf32> to vector<2048x512xbf16>
    %slice3A = vector.extract_strided_slice %convert_element_type3A_11 {offsets = [0, 0], sizes = [2048, 256], strides = [1, 1]} : vector<2048x512xbf16> to vector<2048x256xbf16>
    %bitcast_convert_type3A = tpu.bitcast %slice3A : vector<2048x256xbf16> -> vector<2048x256xi16>
    %slice3A_12 = vector.extract_strided_slice %convert_element_type3A_11 {offsets = [0, 256], sizes = [2048, 256], strides = [1, 1]} : vector<2048x512xbf16> to vector<2048x256xbf16>
    %bitcast_convert_type3A_13 = tpu.bitcast %slice3A_12 : vector<2048x256xbf16> -> vector<2048x256xi16>
    %convert_element_type3A_14 = arith.extui %bitcast_convert_type3A : vector<2048x256xi16> to vector<2048x256xi32>
    %convert_element_type3A_15 = arith.extui %bitcast_convert_type3A_13 : vector<2048x256xi16> to vector<2048x256xi32>
    %shift_left3A = arith.constant 16 : i32
    %shift_left3A_16 = vector.broadcast %shift_left3A : i32 to vector<2048x256xi32>
    %shift_left3A_17 = arith.shli %convert_element_type3A_15, %shift_left3A_16 : vector<2048x256xi32>
    %or3A = arith.ori %convert_element_type3A_14, %shift_left3A_17 : vector<2048x256xi32>
    %bitcast_convert_type3A_18 = tpu.bitcast %or3A : vector<2048x256xi32> -> vector<2048x256xf32>
    %slice3A_19 = vector.extract_strided_slice %bitcast_convert_type3A_18 {offsets = [0, 0], sizes = [2048, 128], strides = [1, 1]} : vector<2048x256xf32> to vector<2048x128xf32>
    %swap3A = arith.constant 0 : index
    %swap3A_20 = arith.constant 0 : index
    %swap3A_21 = vector.load %arg4[%swap3A, %swap3A_20] : memref<2048x128xf32, #tpu.memory_space<vmem>>, vector<2048x128xf32>
    tpu.vector_store %arg4[%swap3A, %swap3A_20], %slice3A_19 {strides = array<i32>} : memref<2048x128xf32, #tpu.memory_space<vmem>>, vector<2048x128xf32>,
    %slice3A_22 = vector.extract_strided_slice %bitcast_convert_type3A_18 {offsets = [0, 128], sizes = [2048, 128], strides = [1, 1]} : vector<2048x256xf32> to vector<2048x128xf32>
    %swap3A_23 = arith.constant 0 : index
    %swap3A_24 = arith.constant 0 : index
    %swap3A_25 = vector.load %arg5[%swap3A_23, %swap3A_24] : memref<2048x128xf32, #tpu.memory_space<vmem>>, vector<2048x128xf32>
    tpu.vector_store %arg5[%swap3A_23, %swap3A_24], %slice3A_22 {strides = array<i32>} : memref<2048x128xf32, #tpu.memory_space<vmem>>, vector<2048x128xf32>,
    return
  }
  func.func @transform_0(%arg0: i32) -> (i32, i32) {
    %c0_i32 = arith.constant 0 : i32
    %c0_i32_0 = arith.constant 0 : i32
    return %c0_i32, %arg0 : i32, i32
  }
  func.func @transform_1(%arg0: i32) -> (i32, i32) {
    %c0_i32 = arith.constant 0 : i32
    %c0_i32_0 = arith.constant 0 : i32
    %c0_i32_1 = arith.constant 0 : i32
    return %c0_i32, %c0_i32_0 : i32, i32
  }
  func.func @transform_2(%arg0: i32) -> (i32, i32) {
    %c0_i32 = arith.constant 0 : i32
    %c0_i32_0 = arith.constant 0 : i32
    %c0_i32_1 = arith.constant 0 : i32
    return %c0_i32, %c0_i32_0 : i32, i32
  }
  func.func @transform_3(%arg0: i32) -> (i32, i32) {
    %c0_i32 = arith.constant 0 : i32
    %c0_i32_0 = arith.constant 0 : i32
    return %arg0, %c0_i32 : i32, i32
  }
  func.func @transform_4(%arg0: i32) -> (i32, i32) {
    %c0_i32 = arith.constant 0 : i32
    %c0_i32_0 = arith.constant 0 : i32
    return %arg0, %c0_i32 : i32, i32
  }
}

module attributes {stable_mosaic.version = 14 : i64} {
  func.func @_cat_nodes_body(%arg0: i32, %arg1: memref<1024x128xf32, #tpu.memory_space<vmem>>, %arg2: memref<1024x128xf32, #tpu.memory_space<vmem>>, %arg3: memref<1024x512xf32, #tpu.memory_space<vmem>>) attributes {dimension_semantics = [#tpu.dimension_semantics<parallel>], iteration_bounds = array<i64: 4>, scalar_prefetch = 0 : i64, scratch_operands = 0 : i64, tpu.core_type = #tpu.core_type<tc>, window_params = [{transform_indices = @transform_0, window_bounds = array<i64: 1024, 128>}, {transform_indices = @transform_1, window_bounds = array<i64: 1024, 128>}, {transform_indices = @transform_2, window_bounds = array<i64: 1024, 512>}]} {
    %get3A = arith.constant 0 : index
    %get3A_0 = arith.constant 0 : index
    %get3A_1 = vector.load %arg1[%get3A, %get3A_0] : memref<1024x128xf32, #tpu.memory_space<vmem>>, vector<1024x128xf32>
    %get3A_2 = arith.constant 0 : index
    %get3A_3 = arith.constant 0 : index
    %get3A_4 = vector.load %arg2[%get3A_2, %get3A_3] : memref<1024x128xf32, #tpu.memory_space<vmem>>, vector<1024x128xf32>
    %bitcast_convert_type3A = tpu.bitcast %get3A_1 : vector<1024x128xf32> -> vector<1024x128xi32>
    %convert_element_type3A = arith.trunci %bitcast_convert_type3A : vector<1024x128xi32> to vector<1024x128xi16>
    %bitcast_convert_type3A_5 = tpu.bitcast %convert_element_type3A : vector<1024x128xi16> -> vector<1024x128xbf16>
    %convert_element_type3A_6 = arith.extf %bitcast_convert_type3A_5 : vector<1024x128xbf16> to vector<1024x128xf32>
    %bitcast_convert_type3A_7 = tpu.bitcast %get3A_4 : vector<1024x128xf32> -> vector<1024x128xi32>
    %convert_element_type3A_8 = arith.trunci %bitcast_convert_type3A_7 : vector<1024x128xi32> to vector<1024x128xi16>
    %bitcast_convert_type3A_9 = tpu.bitcast %convert_element_type3A_8 : vector<1024x128xi16> -> vector<1024x128xbf16>
    %convert_element_type3A_10 = arith.extf %bitcast_convert_type3A_9 : vector<1024x128xbf16> to vector<1024x128xf32>
    %bitcast_convert_type3A_11 = tpu.bitcast %get3A_1 : vector<1024x128xf32> -> vector<1024x128xi32>
    %shift_right_logical3A = arith.constant 16 : i32
    %shift_right_logical3A_12 = vector.broadcast %shift_right_logical3A : i32 to vector<1024x128xi32>
    %shift_right_logical3A_13 = arith.shrui %bitcast_convert_type3A_11, %shift_right_logical3A_12 : vector<1024x128xi32>
    %convert_element_type3A_14 = arith.trunci %shift_right_logical3A_13 : vector<1024x128xi32> to vector<1024x128xi16>
    %bitcast_convert_type3A_15 = tpu.bitcast %convert_element_type3A_14 : vector<1024x128xi16> -> vector<1024x128xbf16>
    %convert_element_type3A_16 = arith.extf %bitcast_convert_type3A_15 : vector<1024x128xbf16> to vector<1024x128xf32>
    %bitcast_convert_type3A_17 = tpu.bitcast %get3A_4 : vector<1024x128xf32> -> vector<1024x128xi32>
    %shift_right_logical3A_18 = arith.constant 16 : i32
    %shift_right_logical3A_19 = vector.broadcast %shift_right_logical3A_18 : i32 to vector<1024x128xi32>
    %shift_right_logical3A_20 = arith.shrui %bitcast_convert_type3A_17, %shift_right_logical3A_19 : vector<1024x128xi32>
    %convert_element_type3A_21 = arith.trunci %shift_right_logical3A_20 : vector<1024x128xi32> to vector<1024x128xi16>
    %bitcast_convert_type3A_22 = tpu.bitcast %convert_element_type3A_21 : vector<1024x128xi16> -> vector<1024x128xbf16>
    %convert_element_type3A_23 = arith.extf %bitcast_convert_type3A_22 : vector<1024x128xbf16> to vector<1024x128xf32>
    %concatenate3A = tpu.concatenate %convert_element_type3A_6, %convert_element_type3A_10, %convert_element_type3A_16, %convert_element_type3A_23 in 1 : vector<1024x128xf32>, vector<1024x128xf32>, vector<1024x128xf32>, vector<1024x128xf32> -> vector<1024x512xf32>
    %swap3A = arith.constant 0 : index
    %swap3A_24 = arith.constant 0 : index
    %swap3A_25 = vector.load %arg3[%swap3A, %swap3A_24] : memref<1024x512xf32, #tpu.memory_space<vmem>>, vector<1024x512xf32>
    tpu.vector_store %arg3[%swap3A, %swap3A_24], %concatenate3A {strides = array<i32>} : memref<1024x512xf32, #tpu.memory_space<vmem>>, vector<1024x512xf32>,
    return
  }
  func.func @transform_0(%arg0: i32) -> (i32, i32) {
    %add3A = arith.constant 20 : i32
    %add3A_0 = arith.addi %add3A, %arg0 : i32
    %c0_i32 = arith.constant 0 : i32
    %c0_i32_1 = arith.constant 0 : i32
    return %add3A_0, %c0_i32 : i32, i32
  }
  func.func @transform_1(%arg0: i32) -> (i32, i32) {
    %add3A = arith.constant 20 : i32
    %add3A_0 = arith.addi %add3A, %arg0 : i32
    %c0_i32 = arith.constant 0 : i32
    %c0_i32_1 = arith.constant 0 : i32
    return %add3A_0, %c0_i32 : i32, i32
  }
  func.func @transform_2(%arg0: i32) -> (i32, i32) {
    %c0_i32 = arith.constant 0 : i32
    %c0_i32_0 = arith.constant 0 : i32
    return %arg0, %c0_i32 : i32, i32
  }
}

module attributes {stable_mosaic.version = 14 : i64} {
  func.func @_cat_neigh_body(%arg0: i32, %arg1: i32, %arg2: memref<1024x128xf32, #tpu.memory_space<vmem>>, %arg3: memref<1024x128xf32, #tpu.memory_space<vmem>>, %arg4: memref<1x1024x512xf32, #tpu.memory_space<vmem>>) attributes {dimension_semantics = [#tpu.dimension_semantics<parallel>, #tpu.dimension_semantics<parallel>], iteration_bounds = array<i64: 5, 4>, scalar_prefetch = 0 : i64, scratch_operands = 0 : i64, tpu.core_type = #tpu.core_type<tc>, window_params = [{transform_indices = @transform_0, window_bounds = array<i64: 1024, 128>}, {transform_indices = @transform_1, window_bounds = array<i64: 1024, 128>}, {transform_indices = @transform_2, window_bounds = array<i64: 1, 1024, 512>}]} {
    %get3A = arith.constant 0 : index
    %get3A_0 = arith.constant 0 : index
    %get3A_1 = vector.load %arg2[%get3A, %get3A_0] : memref<1024x128xf32, #tpu.memory_space<vmem>>, vector<1024x128xf32>
    %get3A_2 = arith.constant 0 : index
    %get3A_3 = arith.constant 0 : index
    %get3A_4 = vector.load %arg3[%get3A_2, %get3A_3] : memref<1024x128xf32, #tpu.memory_space<vmem>>, vector<1024x128xf32>
    %bitcast_convert_type3A = tpu.bitcast %get3A_1 : vector<1024x128xf32> -> vector<1024x128xi32>
    %convert_element_type3A = arith.trunci %bitcast_convert_type3A : vector<1024x128xi32> to vector<1024x128xi16>
    %bitcast_convert_type3A_5 = tpu.bitcast %convert_element_type3A : vector<1024x128xi16> -> vector<1024x128xbf16>
    %convert_element_type3A_6 = arith.extf %bitcast_convert_type3A_5 : vector<1024x128xbf16> to vector<1024x128xf32>
    %bitcast_convert_type3A_7 = tpu.bitcast %get3A_4 : vector<1024x128xf32> -> vector<1024x128xi32>
    %convert_element_type3A_8 = arith.trunci %bitcast_convert_type3A_7 : vector<1024x128xi32> to vector<1024x128xi16>
    %bitcast_convert_type3A_9 = tpu.bitcast %convert_element_type3A_8 : vector<1024x128xi16> -> vector<1024x128xbf16>
    %convert_element_type3A_10 = arith.extf %bitcast_convert_type3A_9 : vector<1024x128xbf16> to vector<1024x128xf32>
    %bitcast_convert_type3A_11 = tpu.bitcast %get3A_1 : vector<1024x128xf32> -> vector<1024x128xi32>
    %shift_right_logical3A = arith.constant 16 : i32
    %shift_right_logical3A_12 = vector.broadcast %shift_right_logical3A : i32 to vector<1024x128xi32>
    %shift_right_logical3A_13 = arith.shrui %bitcast_convert_type3A_11, %shift_right_logical3A_12 : vector<1024x128xi32>
    %convert_element_type3A_14 = arith.trunci %shift_right_logical3A_13 : vector<1024x128xi32> to vector<1024x128xi16>
    %bitcast_convert_type3A_15 = tpu.bitcast %convert_element_type3A_14 : vector<1024x128xi16> -> vector<1024x128xbf16>
    %convert_element_type3A_16 = arith.extf %bitcast_convert_type3A_15 : vector<1024x128xbf16> to vector<1024x128xf32>
    %bitcast_convert_type3A_17 = tpu.bitcast %get3A_4 : vector<1024x128xf32> -> vector<1024x128xi32>
    %shift_right_logical3A_18 = arith.constant 16 : i32
    %shift_right_logical3A_19 = vector.broadcast %shift_right_logical3A_18 : i32 to vector<1024x128xi32>
    %shift_right_logical3A_20 = arith.shrui %bitcast_convert_type3A_17, %shift_right_logical3A_19 : vector<1024x128xi32>
    %convert_element_type3A_21 = arith.trunci %shift_right_logical3A_20 : vector<1024x128xi32> to vector<1024x128xi16>
    %bitcast_convert_type3A_22 = tpu.bitcast %convert_element_type3A_21 : vector<1024x128xi16> -> vector<1024x128xbf16>
    %convert_element_type3A_23 = arith.extf %bitcast_convert_type3A_22 : vector<1024x128xbf16> to vector<1024x128xf32>
    %concatenate3A = tpu.concatenate %convert_element_type3A_6, %convert_element_type3A_10, %convert_element_type3A_16, %convert_element_type3A_23 in 1 : vector<1024x128xf32>, vector<1024x128xf32>, vector<1024x128xf32>, vector<1024x128xf32> -> vector<1024x512xf32>
    %broadcast_in_dim3A = vector.shape_cast %concatenate3A : vector<1024x512xf32> to vector<1x1024x512xf32>
    %swap3A = arith.constant 0 : index
    %swap3A_24 = arith.constant 0 : index
    %swap3A_25 = arith.constant 0 : index
    %swap3A_26 = vector.load %arg4[%swap3A, %swap3A_24, %swap3A_25] : memref<1x1024x512xf32, #tpu.memory_space<vmem>>, vector<1x1024x512xf32>
    tpu.vector_store %arg4[%swap3A, %swap3A_24, %swap3A_25], %broadcast_in_dim3A {strides = array<i32>} : memref<1x1024x512xf32, #tpu.memory_space<vmem>>, vector<1x1024x512xf32>,
    return
  }
  func.func @transform_0(%arg0: i32, %arg1: i32) -> (i32, i32) {
    %mul3A = arith.constant 4 : i32
    %mul3A_0 = arith.muli %arg0, %mul3A : i32
    %add3A = arith.addi %mul3A_0, %arg1 : i32
    %c0_i32 = arith.constant 0 : i32
    %c0_i32_1 = arith.constant 0 : i32
    return %add3A, %c0_i32 : i32, i32
  }
  func.func @transform_1(%arg0: i32, %arg1: i32) -> (i32, i32) {
    %mul3A = arith.constant 4 : i32
    %mul3A_0 = arith.muli %arg0, %mul3A : i32
    %add3A = arith.addi %mul3A_0, %arg1 : i32
    %c0_i32 = arith.constant 0 : i32
    %c0_i32_1 = arith.constant 0 : i32
    return %add3A, %c0_i32 : i32, i32
  }
  func.func @transform_2(%arg0: i32, %arg1: i32) -> (i32, i32, i32) {
    %add3A = arith.constant 0 : i32
    %add3A_0 = arith.addi %add3A, %arg0 : i32
    %c0_i32 = arith.constant 0 : i32
    %c0_i32_1 = arith.constant 0 : i32
    return %add3A_0, %arg1, %c0_i32 : i32, i32, i32
  }
}

module attributes {stable_mosaic.version = 14 : i64} {
  func.func @_cat_neigh_body_alias(%arg0: i32, %arg1: i32, %arg2: memref<10x4096x512xf32, #tpu.memory_space<any>>, %arg3: memref<1024x128xf32, #tpu.memory_space<vmem>>, %arg4: memref<1024x128xf32, #tpu.memory_space<vmem>>, %arg5: memref<1x1024x512xf32, #tpu.memory_space<vmem>>) attributes {dimension_semantics = [#tpu.dimension_semantics<parallel>, #tpu.dimension_semantics<parallel>], iteration_bounds = array<i64: 5, 4>, scalar_prefetch = 0 : i64, scratch_operands = 0 : i64, tpu.core_type = #tpu.core_type<tc>, window_params = [{}, {transform_indices = @transform_1, window_bounds = array<i64: 1024, 128>}, {transform_indices = @transform_2, window_bounds = array<i64: 1024, 128>}, {transform_indices = @transform_3, window_bounds = array<i64: 1, 1024, 512>}]} {
    %get3A = arith.constant 0 : index
    %get3A_0 = arith.constant 0 : index
    %get3A_1 = vector.load %arg3[%get3A, %get3A_0] : memref<1024x128xf32, #tpu.memory_space<vmem>>, vector<1024x128xf32>
    %get3A_2 = arith.constant 0 : index
    %get3A_3 = arith.constant 0 : index
    %get3A_4 = vector.load %arg4[%get3A_2, %get3A_3] : memref<1024x128xf32, #tpu.memory_space<vmem>>, vector<1024x128xf32>
    %bitcast_convert_type3A = tpu.bitcast %get3A_1 : vector<1024x128xf32> -> vector<1024x128xi32>
    %convert_element_type3A = arith.trunci %bitcast_convert_type3A : vector<1024x128xi32> to vector<1024x128xi16>
    %bitcast_convert_type3A_5 = tpu.bitcast %convert_element_type3A : vector<1024x128xi16> -> vector<1024x128xbf16>
    %convert_element_type3A_6 = arith.extf %bitcast_convert_type3A_5 : vector<1024x128xbf16> to vector<1024x128xf32>
    %bitcast_convert_type3A_7 = tpu.bitcast %get3A_4 : vector<1024x128xf32> -> vector<1024x128xi32>
    %convert_element_type3A_8 = arith.trunci %bitcast_convert_type3A_7 : vector<1024x128xi32> to vector<1024x128xi16>
    %bitcast_convert_type3A_9 = tpu.bitcast %convert_element_type3A_8 : vector<1024x128xi16> -> vector<1024x128xbf16>
    %convert_element_type3A_10 = arith.extf %bitcast_convert_type3A_9 : vector<1024x128xbf16> to vector<1024x128xf32>
    %bitcast_convert_type3A_11 = tpu.bitcast %get3A_1 : vector<1024x128xf32> -> vector<1024x128xi32>
    %shift_right_logical3A = arith.constant 16 : i32
    %shift_right_logical3A_12 = vector.broadcast %shift_right_logical3A : i32 to vector<1024x128xi32>
    %shift_right_logical3A_13 = arith.shrui %bitcast_convert_type3A_11, %shift_right_logical3A_12 : vector<1024x128xi32>
    %convert_element_type3A_14 = arith.trunci %shift_right_logical3A_13 : vector<1024x128xi32> to vector<1024x128xi16>
    %bitcast_convert_type3A_15 = tpu.bitcast %convert_element_type3A_14 : vector<1024x128xi16> -> vector<1024x128xbf16>
    %convert_element_type3A_16 = arith.extf %bitcast_convert_type3A_15 : vector<1024x128xbf16> to vector<1024x128xf32>
    %bitcast_convert_type3A_17 = tpu.bitcast %get3A_4 : vector<1024x128xf32> -> vector<1024x128xi32>
    %shift_right_logical3A_18 = arith.constant 16 : i32
    %shift_right_logical3A_19 = vector.broadcast %shift_right_logical3A_18 : i32 to vector<1024x128xi32>
    %shift_right_logical3A_20 = arith.shrui %bitcast_convert_type3A_17, %shift_right_logical3A_19 : vector<1024x128xi32>
    %convert_element_type3A_21 = arith.trunci %shift_right_logical3A_20 : vector<1024x128xi32> to vector<1024x128xi16>
    %bitcast_convert_type3A_22 = tpu.bitcast %convert_element_type3A_21 : vector<1024x128xi16> -> vector<1024x128xbf16>
    %convert_element_type3A_23 = arith.extf %bitcast_convert_type3A_22 : vector<1024x128xbf16> to vector<1024x128xf32>
    %concatenate3A = tpu.concatenate %convert_element_type3A_6, %convert_element_type3A_10, %convert_element_type3A_16, %convert_element_type3A_23 in 1 : vector<1024x128xf32>, vector<1024x128xf32>, vector<1024x128xf32>, vector<1024x128xf32> -> vector<1024x512xf32>
    %broadcast_in_dim3A = vector.shape_cast %concatenate3A : vector<1024x512xf32> to vector<1x1024x512xf32>
    %swap3A = arith.constant 0 : index
    %swap3A_24 = arith.constant 0 : index
    %swap3A_25 = arith.constant 0 : index
    %swap3A_26 = vector.load %arg5[%swap3A, %swap3A_24, %swap3A_25] : memref<1x1024x512xf32, #tpu.memory_space<vmem>>, vector<1x1024x512xf32>
    tpu.vector_store %arg5[%swap3A, %swap3A_24, %swap3A_25], %broadcast_in_dim3A {strides = array<i32>} : memref<1x1024x512xf32, #tpu.memory_space<vmem>>, vector<1x1024x512xf32>,
    return
  }
  func.func @transform_1(%arg0: i32, %arg1: i32) -> (i32, i32) {
    %mul3A = arith.constant 4 : i32
    %mul3A_0 = arith.muli %arg0, %mul3A : i32
    %add3A = arith.addi %mul3A_0, %arg1 : i32
    %c0_i32 = arith.constant 0 : i32
    %c0_i32_1 = arith.constant 0 : i32
    return %add3A, %c0_i32 : i32, i32
  }
  func.func @transform_2(%arg0: i32, %arg1: i32) -> (i32, i32) {
    %mul3A = arith.constant 4 : i32
    %mul3A_0 = arith.muli %arg0, %mul3A : i32
    %add3A = arith.addi %mul3A_0, %arg1 : i32
    %c0_i32 = arith.constant 0 : i32
    %c0_i32_1 = arith.constant 0 : i32
    return %add3A, %c0_i32 : i32, i32
  }
  func.func @transform_3(%arg0: i32, %arg1: i32) -> (i32, i32, i32) {
    %add3A = arith.constant 5 : i32
    %add3A_0 = arith.addi %add3A, %arg0 : i32
    %c0_i32 = arith.constant 0 : i32
    %c0_i32_1 = arith.constant 0 : i32
    return %add3A_0, %arg1, %c0_i32 : i32, i32, i32
  }
}

</mosaic_0001>

<sc_bundles>
// kernel: kernel.12.cloned.1.call-start
scs
__scs_entry_jumppad:
0x0: {  	(pc) =	sbr.rel $0x88, $3  }
0x1: {  	(tag) =	ssettag $0x0;
	lr =	simm.s32 $0x1  }
0x2: {  	[smem:$0x3F9A] =	sst lr;
	_ =	strace $0xD0000000  }
0x3: {  	_ = 	snop  }
0x4: {  	_ = 	snop  }
0x5: {  	_ = 	snop  }
0x6: {  	_ = 	snop  }
0x7: {  	_ = 	snop  }
__scs_overlays_trampoline_lowered:
0x8: {  	[smem:$0x3FA9] =	sst s0  }
0x9: {  	[smem:$0x3FAA] =	sst s1  }
0xa: {  	[smem:$0x3FAB] =	sst s2  }
0xb: {  	[smem:$0x3FAC] =	sst s3  }
0xc: {  	[smem:$0x3FAD] =	sst s4  }
0xd: {  	[smem:$0x3FAE] =	sst s5  }
0xe: {  	[smem:$0x3FAF] =	sst s6  }
0xf: {  	[smem:$0x3FB0] =	sst s7  }
0x10: {  	[smem:$0x3FB1] =	sst s8  }
0x11: {  	[smem:$0x3FB2] =	sst s9;
	s0 =	simm.s32 @!p0 $0x0  }
0x12: {  	s1 =	sld [smem:$0x3F98];
	s0 =	simm.s32 @p0 $0x1  }
0x13: {  	[smem:$0x3FB3] =	sst s0;
	s0 =	simm.s32 @!p1 $0x0  }
0x14: {  	s2 =	sld [smem:$0x3F97];
	s0 =	simm.s32 @p1 $0x1  }
0x15: {  	[smem:$0x3FB4] =	sst s0;
	s0 =	simm.s32 @!p2 $0x0  }
0x16: {  	s3 =	sld [smem:$0x3FDB];
	s0 =	simm.s32 @p2 $0x1  }
0x17: {  	s4 =	simm.s32 $0x1BF5;
	[smem:$0x3FB6] =	sst s0  }
0x18: {  	s0 =	sld [smem:$0x3F99];
	_ =	swait.ge [sflag:s4], $0x0  }
0x19: {  	s7 =	sld [smem:$0x3F9A]  }
0x1a: {  	s8 =	sadd.s32 $0xFFFFE003, lr  }
0x1b: {  	s9 =	sadd.s32 $0xFFFFFEF7, lr;
	s5 =	simm.s32 $0xFFFFFFFF;
	p2 =	slt.u32 s8, $0xFFFFF086  }
0x1c: {  	p1 =	slt.u32 s9, $0xF7A;
	s5 =	simm.s32 @!p2 $0x0  }
0x1d: {  	s5 =	simm.s32 @p1 $0x1;
	p0 =	seq.s32 s7, s2  }
0x1e: {  	s7 =	smul.u32 @!p0 $0xF7A, s2;
	p2 =	seq.s32 @!p0 s5, $0x0  }
0x1f: {  	s9 =	smul.u32 $0xF7A, s1;
	s8 =	simm.s32 @!p0 $0x1BF5;
	p2 =	por !p2, p0  }
0x20: {  	[sflag:s8] =	ssyncset.s32 @!p0 $0xFFFFF086;
	s6 =	sadd.s32 @!p0 s3, s7;
	s7 =	simm.s32 @!p0 $0x108  }
0x21: {  	s3 =	sadd.s32 s3, s9;
	s6 =	sadd.s32 @!p0 $0x88, s6;
	s7 =	simm.s32 @p2 $0x1082  }
0x22: {  	[simem:s7], [sflag:s8] =	dma.local @!p0 [hbm:s6], $0xF7A  }
0x23: {  	s9 =	sor.u32 $0xD0000000, s2;
	s6 =	simm.s32 $0x108;
	_ =	swait.ge @!p0 [sflag:s8], $0x0  }
0x24: {  	s3 =	sadd.s32 $0x88, s3;
	s6 =	simm.s32 @!p1 $0x1082;
	[sflag:s4] =	ssyncset.s32 $0xFFFFF086  }
0x25: {  	[simem:s6], [sflag:s4] =	dma.local [hbm:s3], $0xF7A  }
0x26: {  	[smem:$0x3F9A] =	sst s1;
	(tag) =	ssettag s2;
	_ =	strace s9  }
0x27: {  	s1 =	sld [smem:$0x3FAA]  }
0x28: {  	s2 =	sld [smem:$0x3FAB]  }
0x29: {  	s4 =	sld [smem:$0x3FAD]  }
0x2a: {  	p0 =	seq.s32 s5, $0x0;
	s5 =	sld [smem:$0x3FAE]  }
0x2b: {  	s6 =	sld [smem:$0x3FAF]  }
0x2c: {  	s7 =	sld [smem:$0x3FB0]  }
0x2d: {  	s3 =	simm.s32 $0x108;
	s8 =	sld [smem:$0x3FB1]  }
0x2e: {  	s3 =	simm.s32 @!p0 $0x1082;
	s9 =	sld [smem:$0x3FB2]  }
0x2f: {  	lr =	sadd.s32 s0, s3;
	s0 =	sld [smem:$0x3FA9]  }
0x30: {  	s3 =	sld [smem:$0x3FAC]  }
0x31: {  	[smem:$0x3FB5] =	sst s10  }
0x32: {  	s10 =	sld [smem:$0x3FB3];
	_ =	sdelay $0x3  }
0x33: {  	p0 =	seq.s32 s10, $0x1;
	s10 =	sld [smem:$0x3FB5];
	_ =	sdelay $0x3  }
0x34: {  	[smem:$0x3FB5] =	sst s10  }
0x35: {  	s10 =	sld [smem:$0x3FB4];
	_ =	sdelay $0x3  }
0x36: {  	p1 =	seq.s32 s10, $0x1;
	s10 =	sld [smem:$0x3FB5];
	_ =	sdelay $0x3  }
0x37: {  	[smem:$0x3FB5] =	sst s10  }
0x38: {  	s10 =	sld [smem:$0x3FB6]  }
0x39: {  	_ = 	snop;
	(pc) =	sbr.ind lr, $3  }
0x3a: {  	_ = 	snop  }
0x3b: {  	_ = 	snop  }
0x3c: {  	p2 =	seq.s32 s10, $0x1;
	s10 =	sld [smem:$0x3FB5]  }
0x3d: {  	_ =	shalt  }
0x3e: {  	_ =	shalt  }
0x3f: {  	_ =	shalt  }
0x40: {  	_ =	shalt  }
0x41: {  	_ =	shalt  }
0x42: {  	_ =	shalt  }
0x43: {  	_ =	shalt  }
0x44: {  	_ =	shalt  }
0x45: {  	_ =	shalt  }
0x46: {  	_ =	shalt  }
0x47: {  	_ =	shalt  }
0x48: {  	_ =	shalt  }
0x49: {  	_ =	shalt  }
0x4a: {  	_ =	shalt  }
0x4b: {  	_ =	shalt  }
0x4c: {  	_ =	shalt  }
0x4d: {  	_ =	shalt  }
0x4e: {  	_ =	shalt  }
0x4f: {  	_ =	shalt  }
0x50: {  	_ =	shalt  }
0x51: {  	_ =	shalt  }
0x52: {  	_ =	shalt  }
0x53: {  	_ =	shalt  }
0x54: {  	_ =	shalt  }
0x55: {  	_ =	shalt  }
0x56: {  	_ =	shalt  }
0x57: {  	_ =	shalt  }
0x58: {  	_ =	shalt  }
0x59: {  	_ =	shalt  }
0x5a: {  	_ =	shalt  }
0x5b: {  	_ =	shalt  }
0x5c: {  	_ =	shalt  }
0x5d: {  	_ =	shalt  }
0x5e: {  	_ =	shalt  }
0x5f: {  	_ =	shalt  }
0x60: {  	_ =	shalt  }
0x61: {  	_ =	shalt  }
0x62: {  	_ =	shalt  }
0x63: {  	_ =	shalt  }
0x64: {  	_ =	shalt  }
0x65: {  	_ =	shalt  }
0x66: {  	_ =	shalt  }
0x67: {  	_ =	shalt  }
0x68: {  	_ =	shalt  }
0x69: {  	_ =	shalt  }
0x6a: {  	_ =	shalt  }
0x6b: {  	_ =	shalt  }
0x6c: {  	_ =	shalt  }
0x6d: {  	_ =	shalt  }
0x6e: {  	_ =	shalt  }
0x6f: {  	_ =	shalt  }
0x70: {  	_ =	shalt  }
0x71: {  	_ =	shalt  }
0x72: {  	_ =	shalt  }
0x73: {  	_ =	shalt  }
0x74: {  	_ =	shalt  }
0x75: {  	_ =	shalt  }
0x76: {  	_ =	shalt  }
0x77: {  	_ =	shalt  }
0x78: {  	_ =	shalt  }
0x79: {  	_ =	shalt  }
0x7a: {  	_ =	shalt  }
0x7b: {  	_ =	shalt  }
0x7c: {  	_ =	shalt  }
0x7d: {  	_ =	shalt  }
0x7e: {  	_ =	shalt  }
0x7f: {  	_ =	shalt  }
0x80: {  	_ =	shalt  }
0x81: {  	_ =	shalt  }
0x82: {  	_ =	shalt  }
0x83: {  	_ =	shalt  }
0x84: {  	_ =	shalt  }
0x85: {  	_ =	shalt  }
0x86: {  	_ =	shalt  }
0x87: {  	_ =	shalt  }
.Lfunc_end0:
.L_simem_size_0:
called_computation.1_lowered:
.L_overlay_start_0:
0x88: {  	s2 =	sld [smem:$0x3FD9]  }
0x89: {  	s3 =	sld [smem:$0x3FFE];
	_ =	sdelay $0x1  }
0x8a: {  	s1 =	srdreg.scid  }
0x8b: {  	s0 =	sand.u32 $0x1, s1  }
0x8c: {  	s17 =	sshll.u32 s0, $0xA;
	s2 =	sadd.s32 s3, s2  }
0x8d: {  	s2 =	sadd.s32 s2, s17  }
0x8e: {  	[smem:$0x3FC1] =	sst s2  }
0x8f: {  	_ = 	snop  }
0x90: {  	(tm) =	ssettm $0x1  }
0x91: {  	s18 =	sld [smem:$0x3FFB];
	_ =	sdelay $0x3  }
0x92: {  	_ =	strace s18  }
0x93: {  	s2 =	sld [smem:$0x3FFC];
	_ =	sdelay $0x3  }
0x94: {  	_ =	strace s2  }
0x95: {  	s2 =	sld [smem:$0x3FFD];
	_ =	sdelay $0x3  }
0x96: {  	_ =	strace s2  }
0x97: {  	_ =	strace $0x8FFFFFFF  }
0x98: {  	s19 =	sld [smem:$0x3FDB];
	_ =	sdelay $0x1  }
0x99: {  	s20 =	simm.s32 $_scs_section_size  }
0x9a: {  	s4 =	simm.s32 $_size__tile_overlayer_lowered;
	s5 =	simm.s32 $_tile_overlayer_lowered  }
0x9b: {  	s6 =	simm.s32 $0x1BFF;
	s21 =	sshll.u32 s5, $0x1;
	s3 =	sadd.s32 s20, s19  }
0x9c: {  	s22 =	simm.s32 $0x0;
	s4 =	sshll.u32 s4, $0x1;
	s5 =	sadd.s32 s21, s3  }
0x9d: {  	[timem:s22], [sflag:s6] =	dma.local [hbm:s5], s4  }
0x9e: {  	_ =	swait.ge [sflag:s6], s4  }
0x9f: {  	s4 =	ssub.s32 $0x0, s4;
	[sflag:s6] =	ssyncset.done $0x0  }
0xa0: {  	[sflag:s6] =	ssyncadd.s32 s4;
	_ =	sdelay $0x1  }
0xa1: {  	s23 =	simm.s32 $0x1B8B  }
0xa2: {  	_ =	swait.ge [sflag:s23], $0x1  }
0xa3: {  	[sflag:s23] =	ssyncset.done $0x0  }
0xa4: {  	[sflag:s23] =	ssyncadd.s32 $0xFFFFFFFF  }
0xa5: {  	s4 =	sld [smem:$0x0]  }
0xa6: {  	s5 =	sand.u32 $0xFFFFFFFE, s1  }
0xa7: {  	p0 =	sne.s32 s1, s5  }
0xa8: {  	s5 =	sshll.u32 @p0 s5, $0xE  }
0xa9: {  	s5 =	sadd.s32 @p0 $0x11B8D, s5;
	s6 =	sshll.u32 @p0 s4, $0x11  }
0xaa: {  	s5 =	sor.u32 @p0 s6, s5  }
0xab: {  	[sflag:s5] =	ssyncadd.remote.s32 @p0 $0x1;
	_ =	sdelay $0x1  }
0xac: {  	s5 =	simm.s32 @p0 $0x1B8D  }
0xad: {  	_ =	swait.eq @p0 [sflag:s5], $0x1  }
0xae: {  	[sflag:s5] =	ssyncadd.s32 @p0 $0xFFFFFFFF  }
0xaf: {  	s6 =	sshll.u32 @!p0 s1, $0xE  }
0xb0: {  	s6 =	sor.u32 @!p0 $0x4000, s6;
	s5 =	simm.s32 @!p0 $0x1B8D  }
0xb1: {  	s4 =	sshll.u32 @!p0 s4, $0x11;
	s6 =	sadd.s32 @!p0 $0x11B8D, s6;
	_ =	swait.eq @!p0 [sflag:s5], $0x1  }
0xb2: {  	s4 =	sor.u32 @!p0 s4, s6;
	[sflag:s5] =	ssyncadd.s32 @!p0 $0xFFFFFFFF  }
0xb3: {  	s25 =	simm.s32 $0x1B8E;
	s24 =	sld [smem:$0x3FFE];
	[sflag:s4] =	ssyncadd.remote.s32 @!p0 $0x1  }
0xb4: {  	s26 =	simm.s32 $execute0_lowered;
	[smem:$0x3FD2] =	sst s25  }
0xb5: {  	s5 =	sshll.u32 s26, $0x1;
	_ =	strace $0x80000049;
	[dreg:$0x1] =	wrdreg $0xFFFFFFFF  }
0xb6: {  	s28 =	simm.s32 $_size_execute0_lowered;
	s3 =	sadd.s32 s3, s5;
	[dreg:$0x0] =	wrdreg $0x0  }
0xb7: {  	s5 =	sshll.u32 s28, $0x1;
	[dreg:$0x2] =	wrdreg s3  }
0xb8: {  	[dreg:$0x3] =	wrdreg s5  }
0xb9: {  	[dreg:$0x4] =	wrdreg $0xC0  }
0xba: {  	_ =	task [dreg:s22], $0x5FFFF  }
0xbb: {  	[dreg:$0x1] =	wrdreg $0xFFFFFFFF  }
0xbc: {  	[dreg:$0x0] =	wrdreg $0x60  }
0xbd: {  	[dreg:$0x2] =	wrdreg s24  }
0xbe: {  	[dreg:$0x3] =	wrdreg $0xA  }
0xbf: {  	_ =	task.clear_ibuf [dreg:s22], $0x4FFFF;
	_ =	strace $0x90000049  }
0xc0: {  	s29 =	simm.s32 $0xA;
	_ =	strace $0x8000004B  }
0xc1: {  	_ =	swait.ge [sflag:s29], $0x1  }
0xc2: {  	[sflag:s29] =	ssyncadd.s32 $0xFFFFFFFF  }
0xc3: {  	_ =	strace $0x9000004B  }
0xc4: {  	_ =	sfence  }
0xc5: {  	s30 =	sld [smem:$0x0];
	_ =	sdelay $0x2  }
0xc6: {  	s31 =	sshll.u32 s1, $0xD;
	s1 =	sshrl.u32 s1, $0x2  }
0xc7: {  	s4 =	sand.u32 $0x4000, s31;
	s1 =	sadd.s32 s1, s30  }
0xc8: {  	s0 =	sor.u32 s4, s0;
	s1 =	sshll.u32 s1, $0x11  }
0xc9: {  	s0 =	sor.u32 s1, s0  }
0xca: {  	s0 =	sadd.s32 $0x8F2B, s0  }
0xcb: {  	[sflag:s0] =	ssyncadd.remote.s32 $0x1  }
0xcc: {  	_ =	sfence.sel $0xFFFF  }
0xcd: {  	[dreg:$0x0] =	wrdreg $0xFFFFFFFF;
	(pc) =	sbr.abs _section_cstart, $3  }
0xce: {  	[dreg:$0x1] =	wrdreg $0xFFFFFFFF  }
0xcf: {  	_ =	task.clear_ibuf [dreg:s22], $0x2FFFF;
	_ =	strace $0x9FFFFFFF  }
0xd0: {  	(tm) =	ssettm $0x7FFFFFFF  }
0xd1: {  	_ =	shalt  }
tec
execute0_lowered:
.L_overlay_start_1:
0x0: {  	(tag) =	ssettag $0x1  }
0x1: {  	s1 =	srdreg.scid  }
0x2: {  	s0 =	stileid.u32;
	s5 =	rddreg [dreg:$0x0];
	s2 =	simm.s32 $0x0  }
0x3: {  	s11 =	simm.s32 $0x4080;
	s12 =	simm.s32 $0x1;
	s4 =	smul.u32 $0x500, s0  }
0x4: {  	s3 =	sand.u32 $0x1, s1;
	s1 =	rddreg [dreg:$0x1];
	s29 =	smul.u32 $0x5000, s0  }
0x5: {  	s13 =	simm.s32 $0x0;
	[smem:$0x7FF] =	sst s2;
	s6 =	smul.u32 $0x280, s3  }
0x6: {  	_ =	strace $0x8000004A;
	s7 =	ssub.s32 $0x2, s3;
	s9 =	smul.u32 $0x2800, s3  }
0x7: {  	s3 =	sadd.s32 $0x2000, s5;
	s10 =	sshrl.u32 s7, $0x1;
	s4 =	sadd.s32 s6, s4  }
0x8: {  	s6 =	sadd.s32 s29, s5;
	s30 =	ssub.s32 s7, s10;
	s10 =	simm.s32 $0x80  }
0x9: {  	s4 =	sshrl.u32 s4, $0x3;
	s31 =	sadd.s32 s9, s6;
	s9 =	simm.s32 $0x2  }
0xa: {  	s8 =	sadd.s32 s4, s5;
	s4 =	sadd.s32 $0xC5600, s5;
	s6 =	sadd.s32 $0x1E9600, s31  }
0xb: {  	s5 =	smax.u32 s30, $0x1;
	s7 =	sadd.s32 $0x239600, s31;
	s8 =	sadd.s32 $0x1E8C00, s8  }
.LBB2_1:
0xc: {  	[tilespmem:s2], [sflag:$0x2] =	stream.linear.gather [hbm4b:s8+s2], $0x80, $0x38;
	[tilespmem:$0x8080] =	vst v63  }
0xd: {  	_ =	swait.ge [sflag:s9], $0x80  }
0xe: {  	[sflag:s9] =	ssyncset.done $0x0  }
0xf: {  	[sflag:s9] =	ssyncadd.s32 $0xFFFFFF80  }
0x10: {  	[tilespmem:s10], [sflag:$0x1] =	stream.indirect.gather [hbm4b:s3+s10], $0x80, s2, s10, $0xb8;
	[tilespmem:$0x8080] =	vst v63  }
0x11: {  	_ = 	snop  }
0x12: {  	[tilespmem:s11], [sflag:$0x1] =	stream.indirect.gather [hbm4b:s4+s10], $0x80, s2, s10, $0xb8;
	[tilespmem:$0x8080] =	vst v63  }
0x13: {  	_ =	swait.ge [sflag:s12], $0x4000  }
0x14: {  	[sflag:s12] =	ssyncset.done $0x0  }
0x15: {  	[sflag:s12] =	ssyncadd.s32 $0xFFFFC000  }
0x16: {  	_ =	swait.ge [sflag:s12], $0x4000  }
0x17: {  	[sflag:s12] =	ssyncset.done $0x0  }
0x18: {  	s14 =	sadd.s32 $0x0, s6;
	[sflag:s12] =	ssyncadd.s32 $0xFFFFC000  }
0x19: {  	[hbm4b:s14+s2] =	stream.linear.scatter [tilespmem:s10], [sflag:$0x2], $0x4000, $0x38;
	[tilespmem:$0x8080] =	vst v63  }
0x1a: {  	_ =	swait.ge [sflag:s9], $0x4000  }
0x1b: {  	[sflag:s9] =	ssyncset.done $0x0  }
0x1c: {  	s31 =	sadd.s32 $0x0, s7;
	[sflag:s9] =	ssyncadd.s32 $0xFFFFC000  }
0x1d: {  	[hbm4b:s31+s2] =	stream.linear.scatter [tilespmem:s11], [sflag:$0x2], $0x4000, $0x38;
	[tilespmem:$0x8080] =	vst v63  }
0x1e: {  	_ =	swait.ge [sflag:s9], $0x4000  }
0x1f: {  	s15 =	smov.u32 s8;
	s14 =	simm.s32 $0x800;
	[sflag:s9] =	ssyncset.done $0x0  }
.LBB2_2:
0x20: {  	p0 =	sne.s32 s14, $0x2000;
	[sflag:s9] =	ssyncadd.s32 $0xFFFFC000;
	s15 =	sadd.s32 $0x10, s15  }
0x21: {  	[tilespmem:s2], [sflag:$0x2] =	stream.linear.gather [hbm4b:s15+s2], $0x80, $0x38;
	[tilespmem:$0x8080] =	vst v63  }
0x22: {  	s16 =	smov.u32 s14;
	s14 =	sadd.s32 $0x800, s14;
	_ =	swait.ge [sflag:s9], $0x80  }
0x23: {  	[sflag:s9] =	ssyncset.done $0x0  }
0x24: {  	[sflag:s9] =	ssyncadd.s32 $0xFFFFFF80  }
0x25: {  	[tilespmem:s10], [sflag:$0x1] =	stream.indirect.gather [hbm4b:s3+s10], $0x80, s2, s10, $0xb8;
	[tilespmem:$0x8080] =	vst v63  }
0x26: {  	_ = 	snop  }
0x27: {  	[tilespmem:s11], [sflag:$0x1] =	stream.indirect.gather [hbm4b:s4+s10], $0x80, s2, s10, $0xb8;
	[tilespmem:$0x8080] =	vst v63  }
0x28: {  	_ =	swait.ge [sflag:s12], $0x4000  }
0x29: {  	[sflag:s12] =	ssyncset.done $0x0  }
0x2a: {  	[sflag:s12] =	ssyncadd.s32 $0xFFFFC000  }
0x2b: {  	_ =	swait.ge [sflag:s12], $0x4000  }
0x2c: {  	[sflag:s12] =	ssyncset.done $0x0  }
0x2d: {  	s17 =	sadd.s32 s16, s6;
	[sflag:s12] =	ssyncadd.s32 $0xFFFFC000  }
0x2e: {  	[hbm4b:s17+s2] =	stream.linear.scatter [tilespmem:s10], [sflag:$0x2], $0x4000, $0x38;
	[tilespmem:$0x8080] =	vst v63  }
0x2f: {  	_ =	swait.ge [sflag:s9], $0x4000  }
.Ltmp0:
0x30: {  	[sflag:s9] =	ssyncset.done $0x0;
	(pc) =	sbr.rel @p0 .LBB2_2-.Ltmp0, $4  }
0x31: {  	s16 =	sadd.s32 s16, s7;
	[sflag:s9] =	ssyncadd.s32 $0xFFFFC000  }
0x32: {  	[hbm4b:s16+s2] =	stream.linear.scatter [tilespmem:s11], [sflag:$0x2], $0x4000, $0x38;
	[tilespmem:$0x8080] =	vst v63  }
0x33: {  	_ =	swait.ge [sflag:s9], $0x4000  }
0x34: {  	[sflag:s9] =	ssyncset.done $0x0  }
0x35: {  	s13 =	sadd.s32 $0x1, s13  }
0x36: {  	p0 =	sne.s32 s13, s5  }
.Ltmp1:
0x37: {  	_ = 	snop;
	(pc) =	sbr.rel @p0 .LBB2_1-.Ltmp1, $2  }
0x38: {  	_ =	sdelay $0x2  }
0x39: {  	[sflag:s9] =	ssyncadd.s32 $0xFFFFC000  }
0x3a: {  	_ =	sfence.sel $0x180000  }
0x3b: {  	[bflag:$0x0] =	sbarrier.arrive $0xFFFF  }
0x3c: {  	p0 =	sne.s32 s0, $0x0;
	_ =	strace $0x9000004A  }
0x3d: {  	s0 =	sadd.s32 @!p0 $0x100000, s1;
	[bflag:$0x2] =	sbarrier.arrive $0xFFFF  }
0x3e: {  	[sflag:s0] =	ssyncadd.tile.s32 @!p0 $0x1;
	_ =	shalt  }
.Lfunc_end2:
_tile_overlayer_lowered:
.L_overlay_start_2:
0x3f: {  	(tag) =	ssettag $0x2  }
0x40: {  	s0 =	rddreg [dreg:$0x0];
	s2 =	stileid.u32  }
0x41: {  	s1 =	rddreg [dreg:$0x1];
	p0 =	sne.s32 s2, $0x0  }
0x42: {  	s3 =	rddreg [dreg:$0x2];
	[bflag:$0x3] =	sbarrier.arrive $0xFFFF;
	s2 =	simm.s32 @!p0 $0x1C02  }
0x43: {  	[timem:s3], [sflag:s2] =	dma.local @!p0 [hbm:s0], s1  }
0x44: {  	s0 =	simm.s32 @!p0 $0x2  }
0x45: {  	_ =	swait.ge @!p0 [sflag:s0], s1  }
0x46: {  	s1 =	ssub.s32 @!p0 $0x0, s1;
	[sflag:s0] =	ssyncset.done @!p0 $0x0  }
0x47: {  	[sflag:s0] =	ssyncadd.s32 @!p0 s1  }
0x48: {  	[bflag:$0x3] =	sbarrier.arrive $0xFFFF  }
0x49: {  	_ =	shalt  }

// kernel: kernel.9.cloned.1.call-start
scs
__scs_entry_jumppad:
0x0: {  	(pc) =	sbr.rel $0x88, $3  }
0x1: {  	(tag) =	ssettag $0x0;
	lr =	simm.s32 $0x1  }
0x2: {  	[smem:$0x3F9A] =	sst lr;
	_ =	strace $0xD0000000  }
0x3: {  	_ = 	snop  }
0x4: {  	_ = 	snop  }
0x5: {  	_ = 	snop  }
0x6: {  	_ = 	snop  }
0x7: {  	_ = 	snop  }
__scs_overlays_trampoline_lowered:
0x8: {  	[smem:$0x3FA9] =	sst s0  }
0x9: {  	[smem:$0x3FAA] =	sst s1  }
0xa: {  	[smem:$0x3FAB] =	sst s2  }
0xb: {  	[smem:$0x3FAC] =	sst s3  }
0xc: {  	[smem:$0x3FAD] =	sst s4  }
0xd: {  	[smem:$0x3FAE] =	sst s5  }
0xe: {  	[smem:$0x3FAF] =	sst s6  }
0xf: {  	[smem:$0x3FB0] =	sst s7  }
0x10: {  	[smem:$0x3FB1] =	sst s8  }
0x11: {  	[smem:$0x3FB2] =	sst s9;
	s0 =	simm.s32 @!p0 $0x0  }
0x12: {  	s1 =	sld [smem:$0x3F98];
	s0 =	simm.s32 @p0 $0x1  }
0x13: {  	[smem:$0x3FB3] =	sst s0;
	s0 =	simm.s32 @!p1 $0x0  }
0x14: {  	s2 =	sld [smem:$0x3F97];
	s0 =	simm.s32 @p1 $0x1  }
0x15: {  	[smem:$0x3FB4] =	sst s0;
	s0 =	simm.s32 @!p2 $0x0  }
0x16: {  	s3 =	sld [smem:$0x3FDB];
	s0 =	simm.s32 @p2 $0x1  }
0x17: {  	s4 =	simm.s32 $0x1BF5;
	[smem:$0x3FB6] =	sst s0  }
0x18: {  	s0 =	sld [smem:$0x3F99];
	_ =	swait.ge [sflag:s4], $0x0  }
0x19: {  	s7 =	sld [smem:$0x3F9A]  }
0x1a: {  	s8 =	sadd.s32 $0xFFFFE003, lr  }
0x1b: {  	s9 =	sadd.s32 $0xFFFFFEF7, lr;
	s5 =	simm.s32 $0xFFFFFFFF;
	p2 =	slt.u32 s8, $0xFFFFF086  }
0x1c: {  	p1 =	slt.u32 s9, $0xF7A;
	s5 =	simm.s32 @!p2 $0x0  }
0x1d: {  	s5 =	simm.s32 @p1 $0x1;
	p0 =	seq.s32 s7, s2  }
0x1e: {  	s7 =	smul.u32 @!p0 $0xF7A, s2;
	p2 =	seq.s32 @!p0 s5, $0x0  }
0x1f: {  	s9 =	smul.u32 $0xF7A, s1;
	s8 =	simm.s32 @!p0 $0x1BF5;
	p2 =	por !p2, p0  }
0x20: {  	[sflag:s8] =	ssyncset.s32 @!p0 $0xFFFFF086;
	s6 =	sadd.s32 @!p0 s3, s7;
	s7 =	simm.s32 @!p0 $0x108  }
0x21: {  	s3 =	sadd.s32 s3, s9;
	s6 =	sadd.s32 @!p0 $0x88, s6;
	s7 =	simm.s32 @p2 $0x1082  }
0x22: {  	[simem:s7], [sflag:s8] =	dma.local @!p0 [hbm:s6], $0xF7A  }
0x23: {  	s9 =	sor.u32 $0xD0000000, s2;
	s6 =	simm.s32 $0x108;
	_ =	swait.ge @!p0 [sflag:s8], $0x0  }
0x24: {  	s3 =	sadd.s32 $0x88, s3;
	s6 =	simm.s32 @!p1 $0x1082;
	[sflag:s4] =	ssyncset.s32 $0xFFFFF086  }
0x25: {  	[simem:s6], [sflag:s4] =	dma.local [hbm:s3], $0xF7A  }
0x26: {  	[smem:$0x3F9A] =	sst s1;
	(tag) =	ssettag s2;
	_ =	strace s9  }
0x27: {  	s1 =	sld [smem:$0x3FAA]  }
0x28: {  	s2 =	sld [smem:$0x3FAB]  }
0x29: {  	s4 =	sld [smem:$0x3FAD]  }
0x2a: {  	p0 =	seq.s32 s5, $0x0;
	s5 =	sld [smem:$0x3FAE]  }
0x2b: {  	s6 =	sld [smem:$0x3FAF]  }
0x2c: {  	s7 =	sld [smem:$0x3FB0]  }
0x2d: {  	s3 =	simm.s32 $0x108;
	s8 =	sld [smem:$0x3FB1]  }
0x2e: {  	s3 =	simm.s32 @!p0 $0x1082;
	s9 =	sld [smem:$0x3FB2]  }
0x2f: {  	lr =	sadd.s32 s0, s3;
	s0 =	sld [smem:$0x3FA9]  }
0x30: {  	s3 =	sld [smem:$0x3FAC]  }
0x31: {  	[smem:$0x3FB5] =	sst s10  }
0x32: {  	s10 =	sld [smem:$0x3FB3];
	_ =	sdelay $0x3  }
0x33: {  	p0 =	seq.s32 s10, $0x1;
	s10 =	sld [smem:$0x3FB5];
	_ =	sdelay $0x3  }
0x34: {  	[smem:$0x3FB5] =	sst s10  }
0x35: {  	s10 =	sld [smem:$0x3FB4];
	_ =	sdelay $0x3  }
0x36: {  	p1 =	seq.s32 s10, $0x1;
	s10 =	sld [smem:$0x3FB5];
	_ =	sdelay $0x3  }
0x37: {  	[smem:$0x3FB5] =	sst s10  }
0x38: {  	s10 =	sld [smem:$0x3FB6]  }
0x39: {  	_ = 	snop;
	(pc) =	sbr.ind lr, $3  }
0x3a: {  	_ = 	snop  }
0x3b: {  	_ = 	snop  }
0x3c: {  	p2 =	seq.s32 s10, $0x1;
	s10 =	sld [smem:$0x3FB5]  }
0x3d: {  	_ =	shalt  }
0x3e: {  	_ =	shalt  }
0x3f: {  	_ =	shalt  }
0x40: {  	_ =	shalt  }
0x41: {  	_ =	shalt  }
0x42: {  	_ =	shalt  }
0x43: {  	_ =	shalt  }
0x44: {  	_ =	shalt  }
0x45: {  	_ =	shalt  }
0x46: {  	_ =	shalt  }
0x47: {  	_ =	shalt  }
0x48: {  	_ =	shalt  }
0x49: {  	_ =	shalt  }
0x4a: {  	_ =	shalt  }
0x4b: {  	_ =	shalt  }
0x4c: {  	_ =	shalt  }
0x4d: {  	_ =	shalt  }
0x4e: {  	_ =	shalt  }
0x4f: {  	_ =	shalt  }
0x50: {  	_ =	shalt  }
0x51: {  	_ =	shalt  }
0x52: {  	_ =	shalt  }
0x53: {  	_ =	shalt  }
0x54: {  	_ =	shalt  }
0x55: {  	_ =	shalt  }
0x56: {  	_ =	shalt  }
0x57: {  	_ =	shalt  }
0x58: {  	_ =	shalt  }
0x59: {  	_ =	shalt  }
0x5a: {  	_ =	shalt  }
0x5b: {  	_ =	shalt  }
0x5c: {  	_ =	shalt  }
0x5d: {  	_ =	shalt  }
0x5e: {  	_ =	shalt  }
0x5f: {  	_ =	shalt  }
0x60: {  	_ =	shalt  }
0x61: {  	_ =	shalt  }
0x62: {  	_ =	shalt  }
0x63: {  	_ =	shalt  }
0x64: {  	_ =	shalt  }
0x65: {  	_ =	shalt  }
0x66: {  	_ =	shalt  }
0x67: {  	_ =	shalt  }
0x68: {  	_ =	shalt  }
0x69: {  	_ =	shalt  }
0x6a: {  	_ =	shalt  }
0x6b: {  	_ =	shalt  }
0x6c: {  	_ =	shalt  }
0x6d: {  	_ =	shalt  }
0x6e: {  	_ =	shalt  }
0x6f: {  	_ =	shalt  }
0x70: {  	_ =	shalt  }
0x71: {  	_ =	shalt  }
0x72: {  	_ =	shalt  }
0x73: {  	_ =	shalt  }
0x74: {  	_ =	shalt  }
0x75: {  	_ =	shalt  }
0x76: {  	_ =	shalt  }
0x77: {  	_ =	shalt  }
0x78: {  	_ =	shalt  }
0x79: {  	_ =	shalt  }
0x7a: {  	_ =	shalt  }
0x7b: {  	_ =	shalt  }
0x7c: {  	_ =	shalt  }
0x7d: {  	_ =	shalt  }
0x7e: {  	_ =	shalt  }
0x7f: {  	_ =	shalt  }
0x80: {  	_ =	shalt  }
0x81: {  	_ =	shalt  }
0x82: {  	_ =	shalt  }
0x83: {  	_ =	shalt  }
0x84: {  	_ =	shalt  }
0x85: {  	_ =	shalt  }
0x86: {  	_ =	shalt  }
0x87: {  	_ =	shalt  }
.Lfunc_end0:
.L_simem_size_0:
called_computation_lowered:
.L_overlay_start_0:
0x88: {  	s2 =	sld [smem:$0x3FD9]  }
0x89: {  	s3 =	sld [smem:$0x3FFE];
	_ =	sdelay $0x1  }
0x8a: {  	s1 =	srdreg.scid  }
0x8b: {  	s0 =	sand.u32 $0x1, s1  }
0x8c: {  	s14 =	sshll.u32 s0, $0xA;
	s2 =	sadd.s32 s3, s2  }
0x8d: {  	s2 =	sadd.s32 s2, s14  }
0x8e: {  	[smem:$0x3FC1] =	sst s2  }
0x8f: {  	_ = 	snop  }
0x90: {  	s2 =	sld [smem:$0x3FD0];
	_ =	sdelay $0x2  }
0x91: {  	s15 =	simm.s32 $0xB;
	s4 =	simm.s32 $0x10  }
0x92: {  	[smem:s4], [sflag:s15] =	dma.local [hbm:s2], $0x1  }
0x93: {  	_ =	swait.eq [sflag:s15], $0x1  }
0x94: {  	[sflag:s15] =	ssyncset.done $0x0  }
0x95: {  	s16 =	sld [smem:$0x10];
	[sflag:s15] =	ssyncadd.s32 $0xFFFFFFFF  }
0x96: {  	s17 =	sld [smem:$0x11];
	(tm) =	ssettm $0x1  }
0x97: {  	s18 =	sld [smem:$0x3FFB];
	_ =	sdelay $0x3  }
0x98: {  	_ =	strace s18  }
0x99: {  	s4 =	sld [smem:$0x3FFC];
	_ =	sdelay $0x3  }
0x9a: {  	_ =	strace s4  }
0x9b: {  	s4 =	sld [smem:$0x3FFD];
	_ =	sdelay $0x3  }
0x9c: {  	_ =	strace s4  }
0x9d: {  	_ =	strace $0x8FFFFFFF  }
0x9e: {  	s19 =	sld [smem:$0x3FDB];
	_ =	sdelay $0x1  }
0x9f: {  	s5 =	simm.s32 $_scs_section_size  }
0xa0: {  	s6 =	simm.s32 $_size__tile_overlayer_lowered;
	s7 =	simm.s32 $_tile_overlayer_lowered  }
0xa1: {  	s22 =	simm.s32 $0x1BFF;
	s21 =	sshll.u32 s7, $0x1;
	s4 =	sadd.s32 s5, s19  }
0xa2: {  	s8 =	simm.s32 $0x0;
	s20 =	sshll.u32 s6, $0x1;
	s6 =	sadd.s32 s21, s4  }
0xa3: {  	[timem:s8], [sflag:s22] =	dma.local [hbm:s6], s20  }
0xa4: {  	_ =	swait.ge [sflag:s22], s20  }
0xa5: {  	s5 =	ssub.s32 $0x0, s20;
	[sflag:s22] =	ssyncset.done $0x0  }
0xa6: {  	[sflag:s22] =	ssyncadd.s32 s5;
	_ =	sdelay $0x1  }
0xa7: {  	s23 =	simm.s32 $0x1B8B  }
0xa8: {  	_ =	swait.ge [sflag:s23], $0x1  }
0xa9: {  	[sflag:s23] =	ssyncset.done $0x0  }
0xaa: {  	s25 =	simm.s32 $0x1B8E;
	s24 =	sld [smem:$0x3FFE];
	[sflag:s23] =	ssyncadd.s32 $0xFFFFFFFF  }
0xab: {  	s26 =	simm.s32 $execute0_lowered;
	[smem:$0x3FD2] =	sst s25  }
0xac: {  	s6 =	sshll.u32 s26, $0x1;
	_ =	strace $0x80000046;
	[dreg:$0x1] =	wrdreg $0xFFFFFFFF  }
0xad: {  	s28 =	simm.s32 $_size_execute0_lowered;
	s4 =	sadd.s32 s4, s6;
	[dreg:$0x0] =	wrdreg $0x0  }
0xae: {  	s6 =	sshll.u32 s28, $0x1;
	[dreg:$0x2] =	wrdreg s4  }
0xaf: {  	[dreg:$0x3] =	wrdreg s6  }
0xb0: {  	[dreg:$0x4] =	wrdreg $0xC0  }
0xb1: {  	_ =	task [dreg:s8], $0x5FFFF  }
0xb2: {  	[dreg:$0x1] =	wrdreg $0xFFFFFFFF  }
0xb3: {  	[dreg:$0x0] =	wrdreg $0x60  }
0xb4: {  	[dreg:$0x2] =	wrdreg s16  }
0xb5: {  	[dreg:$0x3] =	wrdreg s24  }
0xb6: {  	[dreg:$0x4] =	wrdreg s17  }
0xb7: {  	[dreg:$0x5] =	wrdreg $0x9  }
0xb8: {  	_ =	task.clear_ibuf [dreg:s8], $0x6FFFF;
	_ =	strace $0x90000046  }
0xb9: {  	s29 =	simm.s32 $0x9;
	_ =	strace $0x80000048  }
0xba: {  	_ =	swait.ge [sflag:s29], $0x1  }
0xbb: {  	[sflag:s29] =	ssyncadd.s32 $0xFFFFFFFF  }
0xbc: {  	_ =	strace $0x90000048  }
0xbd: {  	_ =	sfence  }
0xbe: {  	s30 =	sld [smem:$0x0];
	_ =	sdelay $0x2  }
0xbf: {  	s31 =	sshll.u32 s1, $0xD;
	s1 =	sshrl.u32 s1, $0x2  }
0xc0: {  	s3 =	sand.u32 $0x4000, s31;
	s1 =	sadd.s32 s1, s30  }
0xc1: {  	s0 =	sor.u32 s3, s0;
	s1 =	sshll.u32 s1, $0x11  }
0xc2: {  	s0 =	sor.u32 s1, s0  }
0xc3: {  	s0 =	sadd.s32 $0x8F2B, s0  }
0xc4: {  	[sflag:s0] =	ssyncadd.remote.s32 $0x1  }
0xc5: {  	_ =	sfence.sel $0xFFFF  }
0xc6: {  	[dreg:$0x0] =	wrdreg $0xFFFFFFFF;
	(pc) =	sbr.abs _section_cstart, $3  }
0xc7: {  	[dreg:$0x1] =	wrdreg $0xFFFFFFFF  }
0xc8: {  	_ =	task.clear_ibuf [dreg:s8], $0x2FFFF;
	_ =	strace $0x9FFFFFFF  }
0xc9: {  	(tm) =	ssettm $0x7FFFFFFF  }
tec
execute0_lowered:
.L_overlay_start_1:
0x0: {  	(tag) =	ssettag $0x1  }
0x1: {  	s8 =	rddreg [dreg:$0x0]  }
0x2: {  	s5 =	rddreg [dreg:$0x1]  }
0x3: {  	s6 =	rddreg [dreg:$0x2]  }
0x4: {  	s0 =	rddreg [dreg:$0x3]  }
0x5: {  	s1 =	stileid.u32;
	s3 =	srdreg.scid  }
0x6: {  	s2 =	simm.s32 $0x0;
	s7 =	smul.u32 $0x6000, s1;
	s4 =	sand.u32 $0x1, s3  }
0x7: {  	[smem:$0x7FF] =	sst s2;
	s12 =	smul.u32 $0x600, s1;
	s3 =	sadd.s32 $0x2000, s5  }
0x8: {  	s9 =	ssub.s32 $0x2, s4;
	s10 =	smul.u32 $0x3000, s4;
	_ =	strace $0x80000047  }
0x9: {  	s29 =	smul.u32 $0x300, s4;
	s4 =	sadd.s32 $0xC5600, s5;
	s11 =	sshrl.u32 s9, $0x1  }
0xa: {  	s13 =	sadd.s32 s7, s5;
	s6 =	sadd.s32 s7, s6;
	s9 =	ssub.s32 s9, s11  }
0xb: {  	s30 =	sadd.s32 s10, s13;
	s31 =	sadd.s32 s29, s12;
	s6 =	sadd.s32 s10, s6  }
0xc: {  	s10 =	simm.s32 $0x80;
	s11 =	simm.s32 $0x4080;
	s12 =	simm.s32 $0x1  }
0xd: {  	s13 =	simm.s32 $0x0;
	s5 =	smax.u32 s9, $0x1;
	s9 =	sshrl.u32 s31, $0x3  }
0xe: {  	s7 =	sadd.s32 $0x188C00, s30;
	s8 =	sadd.s32 s9, s8;
	s9 =	simm.s32 $0x2  }
.LBB2_1:
0xf: {  	[tilespmem:s2], [sflag:$0x2] =	stream.linear.gather [hbm4b:s8+s2], $0x80, $0x38;
	[tilespmem:$0x8080] =	vst v63  }
0x10: {  	_ =	swait.ge [sflag:s9], $0x80  }
0x11: {  	[sflag:s9] =	ssyncset.done $0x0  }
0x12: {  	[sflag:s9] =	ssyncadd.s32 $0xFFFFFF80  }
0x13: {  	[tilespmem:s10], [sflag:$0x1] =	stream.indirect.gather [hbm4b:s3+s10], $0x80, s2, s10, $0xb8;
	[tilespmem:$0x8080] =	vst v63  }
0x14: {  	_ = 	snop  }
0x15: {  	[tilespmem:s11], [sflag:$0x1] =	stream.indirect.gather [hbm4b:s4+s10], $0x80, s2, s10, $0xb8;
	[tilespmem:$0x8080] =	vst v63  }
0x16: {  	_ =	swait.ge [sflag:s12], $0x4000  }
0x17: {  	[sflag:s12] =	ssyncset.done $0x0  }
0x18: {  	[sflag:s12] =	ssyncadd.s32 $0xFFFFC000  }
0x19: {  	_ =	swait.ge [sflag:s12], $0x4000  }
0x1a: {  	[sflag:s12] =	ssyncset.done $0x0  }
0x1b: {  	s14 =	sadd.s32 $0x0, s6;
	[sflag:s12] =	ssyncadd.s32 $0xFFFFC000  }
0x1c: {  	[hbm4b:s14+s2] =	stream.linear.scatter [tilespmem:s10], [sflag:$0x2], $0x4000, $0x38;
	[tilespmem:$0x8080] =	vst v63  }
0x1d: {  	_ =	swait.ge [sflag:s9], $0x4000  }
0x1e: {  	[sflag:s9] =	ssyncset.done $0x0  }
0x1f: {  	s31 =	sadd.s32 $0x0, s7;
	[sflag:s9] =	ssyncadd.s32 $0xFFFFC000  }
0x20: {  	[hbm4b:s31+s2] =	stream.linear.scatter [tilespmem:s11], [sflag:$0x2], $0x4000, $0x38;
	[tilespmem:$0x8080] =	vst v63  }
0x21: {  	_ =	swait.ge [sflag:s9], $0x4000  }
0x22: {  	s15 =	smov.u32 s8;
	s14 =	simm.s32 $0x800;
	[sflag:s9] =	ssyncset.done $0x0  }
.LBB2_2:
0x23: {  	p0 =	sne.s32 s14, $0x2800;
	[sflag:s9] =	ssyncadd.s32 $0xFFFFC000;
	s15 =	sadd.s32 $0x10, s15  }
0x24: {  	[tilespmem:s2], [sflag:$0x2] =	stream.linear.gather [hbm4b:s15+s2], $0x80, $0x38;
	[tilespmem:$0x8080] =	vst v63  }
0x25: {  	s16 =	smov.u32 s14;
	s14 =	sadd.s32 $0x800, s14;
	_ =	swait.ge [sflag:s9], $0x80  }
0x26: {  	[sflag:s9] =	ssyncset.done $0x0  }
0x27: {  	[sflag:s9] =	ssyncadd.s32 $0xFFFFFF80  }
0x28: {  	[tilespmem:s10], [sflag:$0x1] =	stream.indirect.gather [hbm4b:s3+s10], $0x80, s2, s10, $0xb8;
	[tilespmem:$0x8080] =	vst v63  }
0x29: {  	_ = 	snop  }
0x2a: {  	[tilespmem:s11], [sflag:$0x1] =	stream.indirect.gather [hbm4b:s4+s10], $0x80, s2, s10, $0xb8;
	[tilespmem:$0x8080] =	vst v63  }
0x2b: {  	_ =	swait.ge [sflag:s12], $0x4000  }
0x2c: {  	[sflag:s12] =	ssyncset.done $0x0  }
0x2d: {  	[sflag:s12] =	ssyncadd.s32 $0xFFFFC000  }
0x2e: {  	_ =	swait.ge [sflag:s12], $0x4000  }
0x2f: {  	[sflag:s12] =	ssyncset.done $0x0  }
0x30: {  	s17 =	sadd.s32 s16, s6;
	[sflag:s12] =	ssyncadd.s32 $0xFFFFC000  }
0x31: {  	[hbm4b:s17+s2] =	stream.linear.scatter [tilespmem:s10], [sflag:$0x2], $0x4000, $0x38;
	[tilespmem:$0x8080] =	vst v63  }
0x32: {  	_ =	swait.ge [sflag:s9], $0x4000  }
.Ltmp0:
0x33: {  	[sflag:s9] =	ssyncset.done $0x0;
	(pc) =	sbr.rel @p0 .LBB2_2-.Ltmp0, $4  }
0x34: {  	s16 =	sadd.s32 s16, s7;
	[sflag:s9] =	ssyncadd.s32 $0xFFFFC000  }
0x35: {  	[hbm4b:s16+s2] =	stream.linear.scatter [tilespmem:s11], [sflag:$0x2], $0x4000, $0x38;
	[tilespmem:$0x8080] =	vst v63  }
0x36: {  	_ =	swait.ge [sflag:s9], $0x4000  }
0x37: {  	[sflag:s9] =	ssyncset.done $0x0  }
0x38: {  	s13 =	sadd.s32 $0x1, s13  }
0x39: {  	p0 =	sne.s32 s13, s5  }
.Ltmp1:
0x3a: {  	_ = 	snop;
	(pc) =	sbr.rel @p0 .LBB2_1-.Ltmp1, $2  }
0x3b: {  	_ =	sdelay $0x2  }
0x3c: {  	[sflag:s9] =	ssyncadd.s32 $0xFFFFC000  }
0x3d: {  	_ =	sfence.sel $0x180000  }
0x3e: {  	[bflag:$0x0] =	sbarrier.arrive $0xFFFF  }
0x3f: {  	p0 =	sne.s32 s1, $0x0;
	_ =	strace $0x90000047  }
0x40: {  	s0 =	sadd.s32 @!p0 $0x100000, s0;
	[bflag:$0x2] =	sbarrier.arrive $0xFFFF  }
0x41: {  	[sflag:s0] =	ssyncadd.tile.s32 @!p0 $0x1;
	_ =	shalt  }
.Lfunc_end2:
_tile_overlayer_lowered:
.L_overlay_start_2:
0x42: {  	(tag) =	ssettag $0x2  }
0x43: {  	s0 =	rddreg [dreg:$0x0];
	s2 =	stileid.u32  }
0x44: {  	s1 =	rddreg [dreg:$0x1];
	p0 =	sne.s32 s2, $0x0  }
0x45: {  	s3 =	rddreg [dreg:$0x2];
	[bflag:$0x3] =	sbarrier.arrive $0xFFFF;
	s2 =	simm.s32 @!p0 $0x1C02  }
0x46: {  	[timem:s3], [sflag:s2] =	dma.local @!p0 [hbm:s0], s1  }
0x47: {  	s0 =	simm.s32 @!p0 $0x2  }
0x48: {  	_ =	swait.ge @!p0 [sflag:s0], s1  }
0x49: {  	s1 =	ssub.s32 @!p0 $0x0, s1;
	[sflag:s0] =	ssyncset.done @!p0 $0x0  }
0x4a: {  	[sflag:s0] =	ssyncadd.s32 @!p0 s1  }
0x4b: {  	[bflag:$0x3] =	sbarrier.arrive $0xFFFF  }
0x4c: {  	_ =	shalt  }

</sc_bundles>
